<compile_context>
chip_gen: v7x
topology: tpu7x:2x2x1
jax: 0.10.2.dev20260603
libtpu: 0.0.44.dev20260713+nightly
codegen_flags: <defaults>
</compile_context>

<pallas_src>
import functools

import jax
import jax.numpy as jnp
from jax import lax
from jax.experimental import pallas as pl
from jax.experimental.pallas import tpu as pltpu
from jax.experimental.pallas import tpu_sc as plsc

E = 8
TOP_K = 2
LANES = 128
T = 2048
H = 1024
FFN = 2048
TILE = 256
NP = T * TOP_K + E * TILE
NT = NP // TILE
NCHUNK = 2
NT_HALF = NT // NCHUNK
NP_HALF = NP // NCHUNK
NWORK = 32



def _router_body(x_ref, gate_ref, logits_ref, pos1_ref, pos2_ref,
                 wn1_ref, wn2_ref, pf_ref):
    x = x_ref[...]
    gate = gate_ref[...]
    logits = lax.dot_general(x, gate, (((1,), (1,)), ((), ())),
                             preferred_element_type=jnp.float32)
    lane = lax.broadcasted_iota(jnp.int32, (T, LANES), 1)
    neg = jnp.float32(-1e30)
    masked = jnp.where(lane < E, logits, neg)
    m = jnp.max(masked, axis=1, keepdims=True)
    ex = jnp.exp(masked - m)
    p = ex / jnp.sum(ex, axis=1, keepdims=True)
    m1 = jnp.max(p, axis=1, keepdims=True)
    i1 = jnp.min(jnp.where(p == m1, lane, LANES), axis=1, keepdims=True)
    p_rest = jnp.where(lane == i1, jnp.float32(-1.0), p)
    m2 = jnp.max(p_rest, axis=1, keepdims=True)
    i2 = jnp.min(jnp.where(p_rest == m2, lane, LANES), axis=1, keepdims=True)
    denom = m1 + m2
    sel1 = lane == i1
    sel2 = lane == i2
    mask = jnp.where(sel1 | sel2, jnp.float32(1.0), 0.0)
    r_io = lax.broadcasted_iota(jnp.int32, (T, T), 0)
    c_io = lax.broadcasted_iota(jnp.int32, (T, T), 1)
    tril = jnp.where(r_io > c_io, jnp.float32(1.0), 0.0)
    cum = lax.dot_general(tril, mask, (((1,), (0,)), ((), ())),
                          preferred_element_type=jnp.float32)
    counts = jnp.sum(mask, axis=0, keepdims=True)
    padded = jnp.ceil(counts / TILE) * TILE
    ri = lax.broadcasted_iota(jnp.int32, (LANES, LANES), 0)
    ci = lax.broadcasted_iota(jnp.int32, (LANES, LANES), 1)
    upper = jnp.where(ri < ci, jnp.float32(1.0), 0.0)
    offs = lax.dot_general(padded, upper, (((1,), (0,)), ((), ())),
                           preferred_element_type=jnp.float32)
    ends = offs + padded
    pos = offs + cum
    pos1 = jnp.sum(jnp.where(sel1, pos, 0.0), axis=1, keepdims=True)
    pos2 = jnp.sum(jnp.where(sel2, pos, 0.0), axis=1, keepdims=True)
    tstart = (lax.broadcasted_iota(jnp.int32, (LANES, LANES), 0)
              * TILE).astype(jnp.float32)
    lane2 = lax.broadcasted_iota(jnp.int32, (LANES, LANES), 1)
    hit = jnp.where((tstart >= jnp.broadcast_to(ends, (LANES, LANES)))
                    & (lane2 < E), jnp.float32(1.0), 0.0)
    cnt = jnp.sum(hit, axis=1, keepdims=True).astype(jnp.int32)
    logits_ref[...] = logits[:, :E]
    pos1_ref[...] = pos1[:, 0].astype(jnp.int32)
    pos2_ref[...] = pos2[:, 0].astype(jnp.int32)
    wn1_ref[...] = (m1 / denom)[:, 0]
    wn2_ref[...] = (m2 / denom)[:, 0]
    te = jnp.minimum(cnt, E - 1)[:NT, 0]
    valid = jnp.where(cnt < E, 1, 0).astype(jnp.int32)[:NT, 0]
    pf_ref[0, :] = te
    pf_ref[1, :] = valid


def _router(x, gate_pad):
    return pl.pallas_call(
        _router_body,
        out_shape=(
            jax.ShapeDtypeStruct((T, E), jnp.float32),
            jax.ShapeDtypeStruct((T,), jnp.int32),
            jax.ShapeDtypeStruct((T,), jnp.int32),
            jax.ShapeDtypeStruct((T,), jnp.float32),
            jax.ShapeDtypeStruct((T,), jnp.float32),
            jax.ShapeDtypeStruct((2, NT), jnp.int32),
        ),
    )(x, gate_pad)



def _sc_mesh():
    return plsc.VectorSubcoreMesh(core_axis_name="c", subcore_axis_name="s",
                                  num_cores=2, num_subcores=16)


@functools.lru_cache(maxsize=None)
def _sc_meta_kernel():
    return functools.partial(
        pl.kernel,
        mesh=_sc_mesh(),
        out_type=(
            jax.ShapeDtypeStruct((NP,), jnp.int32),
            jax.ShapeDtypeStruct((NP,), jnp.float32),
        ),
        scratch_types=[
            pltpu.VMEM((T,), jnp.int32),
            pltpu.VMEM((T,), jnp.int32),
            pltpu.VMEM((T,), jnp.float32),
            pltpu.VMEM((T,), jnp.float32),
            pltpu.VMEM((NP,), jnp.int32),
            pltpu.VMEM((NP,), jnp.float32),
        ],
        compiler_params=pltpu.CompilerParams(needs_layout_passes=False),
    )(_sc_meta_body)


def _sc_meta_body(p1_hbm, p2_hbm, a1_hbm, a2_hbm, tok_hbm, wgt_hbm,
                  p1_v, p2_v, a1_v, a2_v, tok_v, wgt_v):
    wid = lax.axis_index("s") * 2 + lax.axis_index("c")

    @pl.when(wid == 0)
    def _():
        pltpu.sync_copy(p1_hbm, p1_v)
        pltpu.sync_copy(p2_hbm, p2_v)
        pltpu.sync_copy(a1_hbm, a1_v)
        pltpu.sync_copy(a2_hbm, a2_v)

        def init(i, carry):
            tok_v[pl.ds(i * 16, 16)] = jnp.zeros((16,), jnp.int32)
            wgt_v[pl.ds(i * 16, 16)] = jnp.zeros((16,), jnp.float32)
            return carry

        lax.fori_loop(0, NP // 16, init, 0)

        def scat(i, carry):
            sl = pl.ds(i * 16, 16)
            tvec = lax.iota(jnp.int32, 16) + i * 16
            plsc.store_scatter(tok_v, [p1_v[sl]], tvec)
            plsc.store_scatter(wgt_v, [p1_v[sl]], a1_v[sl])
            plsc.store_scatter(tok_v, [p2_v[sl]], tvec)
            plsc.store_scatter(wgt_v, [p2_v[sl]], a2_v[sl])
            return carry

        lax.fori_loop(0, T // 16, scat, 0)
        pltpu.sync_copy(tok_v, tok_hbm)
        pltpu.sync_copy(wgt_v, wgt_hbm)


def _sc_meta(p1, p2, a1, a2):
    return _sc_meta_kernel()(p1, p2, a1, a2)



_SLOTS_PER = NP_HALF // NWORK
_GCH = _SLOTS_PER


@functools.lru_cache(maxsize=None)
def _sc_gather_kernel(lo):
    body = functools.partial(_sc_gather_body, lo)
    return functools.partial(
        pl.kernel,
        mesh=_sc_mesh(),
        out_type=jax.ShapeDtypeStruct((NP_HALF, H), jnp.float32),
        scratch_types=[
            pltpu.VMEM((_SLOTS_PER,), jnp.int32),
            pltpu.VMEM((_GCH, H), jnp.float32),
            pltpu.SemaphoreType.DMA,
        ],
        compiler_params=pltpu.CompilerParams(needs_layout_passes=False),
    )(body)


def _sc_gather_body(lo, x_hbm, tok_hbm, xs_hbm, idx_v, rows_v, sem):
    wid = lax.axis_index("s") * 2 + lax.axis_index("c")
    base = wid * _SLOTS_PER
    pltpu.sync_copy(tok_hbm.at[pl.ds(lo + base, _SLOTS_PER)], idx_v)
    pltpu.async_copy(x_hbm.at[idx_v], rows_v, sem).wait()
    pltpu.sync_copy(rows_v, xs_hbm.at[pl.ds(base, _SLOTS_PER)])


def _sc_gather(lo, x, tok):
    return _sc_gather_kernel(lo)(x, tok)



def _ffn_body(t_off, pf_ref, tok_ref, x_ref, w1_ref, w3_ref, w2_ref, wgt_ref,
              out_ref, y_v):
    i = pl.program_id(0)

    @pl.when(i == 0)
    def _():
        out_ref[...] = jnp.zeros_like(out_ref)

    @pl.when(pf_ref[1, t_off + i] == 1)
    def _():
        x = x_ref[...]
        w1 = w1_ref[0]
        w3 = w3_ref[0]
        w2 = w2_ref[0]
        h1 = lax.dot_general(x, w1, (((1,), (1,)), ((), ())),
                             preferred_element_type=jnp.float32)
        h3 = lax.dot_general(x, w3, (((1,), (1,)), ((), ())),
                             preferred_element_type=jnp.float32)
        h = (h1 * lax.logistic(h1)) * h3
        y = lax.dot_general(h, w2, (((1,), (1,)), ((), ())),
                            preferred_element_type=jnp.float32)
        w = wgt_ref[...]
        y_v[...] = y * w[:, None]

        def addrow(r, carry):
            t = tok_ref[(t_off + i) * TILE + r]
            out_ref[pl.ds(t, 1), :] += y_v[pl.ds(r, 1), :]
            return carry

        lax.fori_loop(0, TILE, addrow, 0)


def _ffn_grouped(t_off, pf, tok, x_sorted, w1, w3, w2, wgt):
    grid_spec = pltpu.PrefetchScalarGridSpec(
        num_scalar_prefetch=2,
        grid=(NT_HALF,),
        in_specs=[
            pl.BlockSpec((TILE, H), lambda i, pf, tok: (i, 0)),
            pl.BlockSpec((1, FFN, H),
                         lambda i, pf, tok: (pf[0, t_off + i], 0, 0)),
            pl.BlockSpec((1, FFN, H),
                         lambda i, pf, tok: (pf[0, t_off + i], 0, 0)),
            pl.BlockSpec((1, H, FFN),
                         lambda i, pf, tok: (pf[0, t_off + i], 0, 0)),
            pl.BlockSpec((TILE,), lambda i, pf, tok: (t_off + i,)),
        ],
        out_specs=pl.BlockSpec((T, H), lambda i, pf, tok: (0, 0)),
        scratch_shapes=[pltpu.VMEM((TILE, H), jnp.float32)],
    )
    return pl.pallas_call(
        functools.partial(_ffn_body, t_off),
        grid_spec=grid_spec,
        out_shape=jax.ShapeDtypeStruct((T, H), jnp.float32),
        compiler_params=pltpu.CompilerParams(
            dimension_semantics=("arbitrary",),
            vmem_limit_bytes=100 * 1024 * 1024,
        ),
    )(pf, tok, x_sorted, w1, w3, w2, wgt)



@jax.jit
def kernel(hidden_states, gate_w, w1, w2, w3):
    B, S, Hh = hidden_states.shape
    x = hidden_states.reshape(-1, Hh)
    gate_pad = jnp.zeros((LANES, Hh), jnp.float32).at[:E].set(gate_w)
    (router_logits, pos1, pos2, wn1, wn2, pf) = _router(x, gate_pad)
    tok_sorted, wgt_sorted = _sc_meta(pos1, pos2, wn1, wn2)
    parts = []
    for q in range(NCHUNK):
        xs_q = _sc_gather(q * NP_HALF, x, tok_sorted)
        parts.append(_ffn_grouped(q * NT_HALF, pf, tok_sorted, xs_q,
                                  w1, w3, w2, wgt_sorted))
    final = sum(parts[1:], parts[0])
    return final.reshape(B, S, Hh), router_logits

# --- scband reference (transcript-rebuilt; emitter-appended) ---
"""Pipeline reference for scband-sync-mixtral-sparse-moe-block-63007170232537 (READ-ONLY COPY).

The authoritative reference and input builder live on the scoring server;
editing this copy changes nothing except your own understanding.
"""

import jax, jax.numpy as jnp
import numpy as np

E = 8
TOP_K = 2
B = 1
S = 2048
H = 1024
FFN = 2048

def setup_inputs(seed: int = 0) -> dict:
    key = jax.random.key(seed)
    ks = jax.random.split(key, 5)
    hidden_states = jax.random.normal(ks[0], (B, S, H), dtype=jnp.float32)
    gate_w = jax.random.normal(ks[1], (E, H), dtype=jnp.float32) * 0.02
    w1 = jax.random.normal(ks[2], (E, FFN, H), dtype=jnp.float32) * 0.02
    w2 = jax.random.normal(ks[3], (E, H, FFN), dtype=jnp.float32) * 0.02
    w3 = jax.random.normal(ks[4], (E, FFN, H), dtype=jnp.float32) * 0.02
    return {"hidden_states": hidden_states, "gate_w": gate_w, "w1": w1, "w2": w2, "w3": w3}

def reference(hidden_states, gate_w, w1, w2, w3):
    Bm, Sm, Hm = hidden_states.shape
    x = hidden_states.reshape(-1, Hm)
    # router
    router_logits = x @ gate_w.T
    routing_weights = jax.nn.softmax(router_logits.astype(jnp.float32), axis=1)
    top_w, selected_experts = jax.lax.top_k(routing_weights, TOP_K)
    top_w = top_w / jnp.sum(top_w, axis=-1, keepdims=True)
    top_w = top_w.astype(x.dtype)
    # per-token per-expert combine weight (0 for unselected experts),
    # equivalent to router_mask / routing_weights_mask in the torch code
    one_hot = jax.nn.one_hot(selected_experts, E, dtype=top_w.dtype)  # [T, k, E]
    weight_per_expert = jnp.sum(top_w[:, :, None] * one_hot, axis=1)  # [T, E]
    final = jnp.zeros_like(x)
    for e in range(E):
        # MixtralBlockSparseTop2MLP: w2(silu(w1(x)) * w3(x))
        h = jax.nn.silu(x @ w1[e].T) * (x @ w3[e].T)
        out_e = h @ w2[e].T
        final = final + out_e * weight_per_expert[:, e:e + 1]
    final = final.reshape(Bm, Sm, Hm)
    return final, router_logits

if __name__ == "__main__":
    import jax
    _d = setup_inputs()
    print(jax.jit(kernel)(*tuple(_d.values())))

</pallas_src>

<mosaic_0001>
#map = affine_map<(d0, d1) -> (0, 0)>
#map1 = affine_map<(d0, d1) -> (0)>
module attributes {stable_mosaic.version = 14 : i64} {
  func.func @_sc_gather_body(%arg0: i32, %arg1: i32, %arg2: memref<2048x1024xf32, #tpu.memory_space<hbm>>, %arg3: memref<6144xi32, #tpu.memory_space<hbm>>, %arg4: memref<3072x1024xf32, #tpu.memory_space<hbm>>, %arg5: memref<96xi32, #tpu.memory_space<vmem>>, %arg6: memref<96x1024xf32, #tpu.memory_space<vmem>>, %arg7: memref<!tpu.dma_semaphore, #tpu.memory_space<semaphore_mem>>) attributes {dimension_semantics = [#tpu.dimension_semantics<core_parallel>, #tpu.dimension_semantics<subcore_parallel>], iteration_bounds = array<i64: 2, 16>, scalar_prefetch = 0 : i64, scratch_operands = 3 : i64, tpu.core_type = #tpu.core_type<sc_vector_subcore>, window_params = [{transform_indices = #map}, {transform_indices = #map1}, {transform_indices = #map}]} {
    %mul3A = arith.constant 2 : i32
    %mul3A_0 = arith.muli %arg1, %mul3A : i32
    %add3A = arith.addi %mul3A_0, %arg0 : i32
    %mul3A_1 = arith.constant 96 : i32
    %mul3A_2 = arith.muli %add3A, %mul3A_1 : i32
    %add3A_3 = arith.constant 0 : i32
    %add3A_4 = arith.addi %add3A_3, %mul3A_2 : i32
    "tpu.region"() ({
      %run_scoped3A = tpu.sem_alloc : memref<!tpu.dma_semaphore, #tpu.memory_space<semaphore_mem>>
      %dma_start3A_9 = tpu.memref_slice %arg3[%add3A_4] : memref<6144xi32, #tpu.memory_space<hbm>> -> memref<96xi32, #tpu.memory_space<hbm>>
      %dma_start3A_10 = tpu.memref_slice %arg3[%add3A_4] : memref<6144xi32, #tpu.memory_space<hbm>> -> memref<96xi32, #tpu.memory_space<hbm>>
      tpu.enqueue_dma source(%dma_start3A_10 : memref<96xi32, #tpu.memory_space<hbm>>) target(%arg5 : memref<96xi32, #tpu.memory_space<vmem>>) target_semaphore(%run_scoped3A : memref<!tpu.dma_semaphore, #tpu.memory_space<semaphore_mem>>)
      %dma_wait3A_11 = tpu.memref_slice %arg3[%add3A_4] : memref<6144xi32, #tpu.memory_space<hbm>> -> memref<96xi32, #tpu.memory_space<hbm>>
      %dma_wait3A_12 = tpu.memref_slice %arg3[%add3A_4] : memref<6144xi32, #tpu.memory_space<hbm>> -> memref<96xi32, #tpu.memory_space<hbm>>
      tpu.wait_dma2 semaphore(%run_scoped3A : memref<!tpu.dma_semaphore, #tpu.memory_space<semaphore_mem>>) src(%dma_wait3A_12 : memref<96xi32, #tpu.memory_space<hbm>>) dst(%arg5 : memref<96xi32, #tpu.memory_space<vmem>>)
      tpu.yield
    }) : () -> ()
    %dma_start3A = arith.constant 0 : i32
    %dma_start3A_5 = arith.constant 0 : i32
    %dma_start3A_6 = tpu.memref_slice %arg2[%dma_start3A, %dma_start3A_5] : memref<2048x1024xf32, #tpu.memory_space<hbm>> -> memref<2048x1024xf32, #tpu.memory_space<hbm>>
    tpu.enqueue_indirect_dma source(%dma_start3A_6 : memref<2048x1024xf32, #tpu.memory_space<hbm>>) target(%arg6 : memref<96x1024xf32, #tpu.memory_space<vmem>>) offsets(%arg5 : memref<96xi32, #tpu.memory_space<vmem>>) semaphore(%arg7 : memref<!tpu.dma_semaphore, #tpu.memory_space<semaphore_mem>>)
    %dma_wait3A = arith.constant 0 : i32
    %dma_wait3A_7 = arith.constant 0 : i32
    %dma_wait3A_8 = tpu.memref_slice %arg2[%dma_wait3A, %dma_wait3A_7] : memref<2048x1024xf32, #tpu.memory_space<hbm>> -> memref<2048x1024xf32, #tpu.memory_space<hbm>>
    tpu.wait_indirect_dma semaphore(%arg7 : memref<!tpu.dma_semaphore, #tpu.memory_space<semaphore_mem>>) src(%dma_wait3A_8 : memref<2048x1024xf32, #tpu.memory_space<hbm>>) dst(%arg6 : memref<96x1024xf32, #tpu.memory_space<vmem>>)
    "tpu.region"() ({
      %run_scoped3A = tpu.sem_alloc : memref<!tpu.dma_semaphore, #tpu.memory_space<semaphore_mem>>
      %dma_start3A_9 = arith.constant 0 : i32
      %dma_start3A_10 = tpu.memref_slice %arg4[%mul3A_2, %dma_start3A_9] : memref<3072x1024xf32, #tpu.memory_space<hbm>> -> memref<96x1024xf32, #tpu.memory_space<hbm>>
      %dma_start3A_11 = arith.constant 0 : i32
      %dma_start3A_12 = tpu.memref_slice %arg4[%mul3A_2, %dma_start3A_11] : memref<3072x1024xf32, #tpu.memory_space<hbm>> -> memref<96x1024xf32, #tpu.memory_space<hbm>>
      tpu.enqueue_dma source(%arg6 : memref<96x1024xf32, #tpu.memory_space<vmem>>) target(%dma_start3A_12 : memref<96x1024xf32, #tpu.memory_space<hbm>>) target_semaphore(%run_scoped3A : memref<!tpu.dma_semaphore, #tpu.memory_space<semaphore_mem>>)
      %dma_wait3A_13 = arith.constant 0 : i32
      %dma_wait3A_14 = tpu.memref_slice %arg4[%mul3A_2, %dma_wait3A_13] : memref<3072x1024xf32, #tpu.memory_space<hbm>> -> memref<96x1024xf32, #tpu.memory_space<hbm>>
      %dma_wait3A_15 = arith.constant 0 : i32
      %dma_wait3A_16 = tpu.memref_slice %arg4[%mul3A_2, %dma_wait3A_15] : memref<3072x1024xf32, #tpu.memory_space<hbm>> -> memref<96x1024xf32, #tpu.memory_space<hbm>>
      tpu.wait_dma2 semaphore(%run_scoped3A : memref<!tpu.dma_semaphore, #tpu.memory_space<semaphore_mem>>) src(%arg6 : memref<96x1024xf32, #tpu.memory_space<vmem>>) dst(%dma_wait3A_16 : memref<96x1024xf32, #tpu.memory_space<hbm>>)
      tpu.yield
    }) : () -> ()
    return
  }
}

#map = affine_map<(d0, d1) -> (0)>
module attributes {stable_mosaic.version = 14 : i64} {
  func.func @_sc_meta_body(%arg0: i32, %arg1: i32, %arg2: memref<2048xi32, #tpu.memory_space<hbm>>, %arg3: memref<2048xi32, #tpu.memory_space<hbm>>, %arg4: memref<2048xf32, #tpu.memory_space<hbm>>, %arg5: memref<2048xf32, #tpu.memory_space<hbm>>, %arg6: memref<6144xi32, #tpu.memory_space<hbm>>, %arg7: memref<6144xf32, #tpu.memory_space<hbm>>, %arg8: memref<2048xi32, #tpu.memory_space<vmem>>, %arg9: memref<2048xi32, #tpu.memory_space<vmem>>, %arg10: memref<2048xf32, #tpu.memory_space<vmem>>, %arg11: memref<2048xf32, #tpu.memory_space<vmem>>, %arg12: memref<6144xi32, #tpu.memory_space<vmem>>, %arg13: memref<6144xf32, #tpu.memory_space<vmem>>) attributes {dimension_semantics = [#tpu.dimension_semantics<core_parallel>, #tpu.dimension_semantics<subcore_parallel>], iteration_bounds = array<i64: 2, 16>, scalar_prefetch = 0 : i64, scratch_operands = 6 : i64, tpu.core_type = #tpu.core_type<sc_vector_subcore>, window_params = [{transform_indices = #map}, {transform_indices = #map}, {transform_indices = #map}, {transform_indices = #map}, {transform_indices = #map}, {transform_indices = #map}]} {
    %mul3A = arith.constant 2 : i32
    %mul3A_0 = arith.muli %arg1, %mul3A : i32
    %add3A = arith.addi %mul3A_0, %arg0 : i32
    %eq3A = arith.constant 0 : i32
    %eq3A_1 = arith.cmpi eq, %add3A, %eq3A : i32
    %convert_element_type3A = arith.extui %eq3A_1 : i1 to i32
    %cond3A = arith.constant 0 : i32
    %cond3A_2 = arith.cmpi ne, %convert_element_type3A, %cond3A : i32
    scf.if %cond3A_2 {
      "tpu.region"() ({
        %run_scoped3A = tpu.sem_alloc : memref<!tpu.dma_semaphore, #tpu.memory_space<semaphore_mem>>
        tpu.enqueue_dma source(%arg2 : memref<2048xi32, #tpu.memory_space<hbm>>) target(%arg8 : memref<2048xi32, #tpu.memory_space<vmem>>) target_semaphore(%run_scoped3A : memref<!tpu.dma_semaphore, #tpu.memory_space<semaphore_mem>>)
        tpu.wait_dma2 semaphore(%run_scoped3A : memref<!tpu.dma_semaphore, #tpu.memory_space<semaphore_mem>>) src(%arg2 : memref<2048xi32, #tpu.memory_space<hbm>>) dst(%arg8 : memref<2048xi32, #tpu.memory_space<vmem>>)
        tpu.yield
      }) : () -> ()
      "tpu.region"() ({
        %run_scoped3A = tpu.sem_alloc : memref<!tpu.dma_semaphore, #tpu.memory_space<semaphore_mem>>
        tpu.enqueue_dma source(%arg3 : memref<2048xi32, #tpu.memory_space<hbm>>) target(%arg9 : memref<2048xi32, #tpu.memory_space<vmem>>) target_semaphore(%run_scoped3A : memref<!tpu.dma_semaphore, #tpu.memory_space<semaphore_mem>>)
        tpu.wait_dma2 semaphore(%run_scoped3A : memref<!tpu.dma_semaphore, #tpu.memory_space<semaphore_mem>>) src(%arg3 : memref<2048xi32, #tpu.memory_space<hbm>>) dst(%arg9 : memref<2048xi32, #tpu.memory_space<vmem>>)
        tpu.yield
      }) : () -> ()
      "tpu.region"() ({
        %run_scoped3A = tpu.sem_alloc : memref<!tpu.dma_semaphore, #tpu.memory_space<semaphore_mem>>
        tpu.enqueue_dma source(%arg4 : memref<2048xf32, #tpu.memory_space<hbm>>) target(%arg10 : memref<2048xf32, #tpu.memory_space<vmem>>) target_semaphore(%run_scoped3A : memref<!tpu.dma_semaphore, #tpu.memory_space<semaphore_mem>>)
        tpu.wait_dma2 semaphore(%run_scoped3A : memref<!tpu.dma_semaphore, #tpu.memory_space<semaphore_mem>>) src(%arg4 : memref<2048xf32, #tpu.memory_space<hbm>>) dst(%arg10 : memref<2048xf32, #tpu.memory_space<vmem>>)
        tpu.yield
      }) : () -> ()
      "tpu.region"() ({
        %run_scoped3A = tpu.sem_alloc : memref<!tpu.dma_semaphore, #tpu.memory_space<semaphore_mem>>
        tpu.enqueue_dma source(%arg5 : memref<2048xf32, #tpu.memory_space<hbm>>) target(%arg11 : memref<2048xf32, #tpu.memory_space<vmem>>) target_semaphore(%run_scoped3A : memref<!tpu.dma_semaphore, #tpu.memory_space<semaphore_mem>>)
        tpu.wait_dma2 semaphore(%run_scoped3A : memref<!tpu.dma_semaphore, #tpu.memory_space<semaphore_mem>>) src(%arg5 : memref<2048xf32, #tpu.memory_space<hbm>>) dst(%arg11 : memref<2048xf32, #tpu.memory_space<vmem>>)
        tpu.yield
      }) : () -> ()
      %scan3A = arith.constant 0 : i32
      %scan3A_3 = arith.constant 0 : i32
      %scan3A_4 = arith.constant 384 : i32
      %scan3A_5 = arith.addi %scan3A_3, %scan3A_4 : i32
      %scan3A_6 = arith.constant 1 : i32
      scf.for %scan3A_14 = %scan3A_3 to %scan3A_5 step %scan3A_6  : i32 {
        %broadcast_in_dim3A = arith.constant 0 : i32
        %broadcast_in_dim3A_15 = vector.broadcast %broadcast_in_dim3A : i32 to vector<16xi32>
        %mul3A_16 = arith.constant 16 : i32
        %mul3A_17 = arith.muli %scan3A_14, %mul3A_16 : i32
        %swap3A = arith.index_cast %mul3A_17 : i32 to index
        %swap3A_18 = tpu.vector_load %arg12[%swap3A] {strides = array<i32>} : memref<6144xi32, #tpu.memory_space<vmem>>, vector<16xi32>,
        tpu.vector_store %arg12[%swap3A], %broadcast_in_dim3A_15 {strides = array<i32>} : memref<6144xi32, #tpu.memory_space<vmem>>, vector<16xi32>,
        %broadcast_in_dim3A_19 = arith.constant 0.000000e+00 : f32
        %broadcast_in_dim3A_20 = vector.broadcast %broadcast_in_dim3A_19 : f32 to vector<16xf32>
        %mul3A_21 = arith.constant 16 : i32
        %mul3A_22 = arith.muli %scan3A_14, %mul3A_21 : i32
        %swap3A_23 = arith.index_cast %mul3A_22 : i32 to index
        %swap3A_24 = tpu.vector_load %arg13[%swap3A_23] {strides = array<i32>} : memref<6144xf32, #tpu.memory_space<vmem>>, vector<16xf32>,
        tpu.vector_store %arg13[%swap3A_23], %broadcast_in_dim3A_20 {strides = array<i32>} : memref<6144xf32, #tpu.memory_space<vmem>>, vector<16xf32>,
      }
      %scan3A_7 = arith.constant 384 : i32
      %scan3A_8 = arith.constant 0 : i32
      %scan3A_9 = arith.constant 0 : i32
      %scan3A_10 = arith.constant 128 : i32
      %scan3A_11 = arith.addi %scan3A_9, %scan3A_10 : i32
      %scan3A_12 = arith.constant 1 : i32
      scf.for %scan3A_14 = %scan3A_9 to %scan3A_11 step %scan3A_12  : i32 {
        %mul3A_15 = arith.constant 16 : i32
        %mul3A_16 = arith.muli %scan3A_14, %mul3A_15 : i32
        %iota3A = tpu.iota {dimensions = array<i32: 0>} : vector<16xi32>
        %mul3A_17 = arith.constant 16 : i32
        %mul3A_18 = arith.muli %scan3A_14, %mul3A_17 : i32
        %add3A_19 = vector.broadcast %mul3A_18 : i32 to vector<16xi32>
        %add3A_20 = arith.addi %iota3A, %add3A_19 : vector<16xi32>
        %get3A = arith.index_cast %mul3A_16 : i32 to index
        %get3A_21 = tpu.vector_load %arg8[%get3A] {strides = array<i32>} : memref<2048xi32, #tpu.memory_space<vmem>>, vector<16xi32>,
        tpu.vector_store_idx %arg12[%get3A_21], %add3A_20 : memref<6144xi32, #tpu.memory_space<vmem>>[vector<16xi32>], vector<16xi32>,
        %get3A_22 = arith.index_cast %mul3A_16 : i32 to index
        %get3A_23 = tpu.vector_load %arg8[%get3A_22] {strides = array<i32>} : memref<2048xi32, #tpu.memory_space<vmem>>, vector<16xi32>,
        %get3A_24 = arith.index_cast %mul3A_16 : i32 to index
        %get3A_25 = tpu.vector_load %arg10[%get3A_24] {strides = array<i32>} : memref<2048xf32, #tpu.memory_space<vmem>>, vector<16xf32>,
        tpu.vector_store_idx %arg13[%get3A_23], %get3A_25 : memref<6144xf32, #tpu.memory_space<vmem>>[vector<16xi32>], vector<16xf32>,
        %get3A_26 = arith.index_cast %mul3A_16 : i32 to index
        %get3A_27 = tpu.vector_load %arg9[%get3A_26] {strides = array<i32>} : memref<2048xi32, #tpu.memory_space<vmem>>, vector<16xi32>,
        tpu.vector_store_idx %arg12[%get3A_27], %add3A_20 : memref<6144xi32, #tpu.memory_space<vmem>>[vector<16xi32>], vector<16xi32>,
        %get3A_28 = arith.index_cast %mul3A_16 : i32 to index
        %get3A_29 = tpu.vector_load %arg9[%get3A_28] {strides = array<i32>} : memref<2048xi32, #tpu.memory_space<vmem>>, vector<16xi32>,
        %get3A_30 = arith.index_cast %mul3A_16 : i32 to index
        %get3A_31 = tpu.vector_load %arg11[%get3A_30] {strides = array<i32>} : memref<2048xf32, #tpu.memory_space<vmem>>, vector<16xf32>,
        tpu.vector_store_idx %arg13[%get3A_29], %get3A_31 : memref<6144xf32, #tpu.memory_space<vmem>>[vector<16xi32>], vector<16xf32>,
      }
      %scan3A_13 = arith.constant 128 : i32
      "tpu.region"() ({
        %run_scoped3A = tpu.sem_alloc : memref<!tpu.dma_semaphore, #tpu.memory_space<semaphore_mem>>
        tpu.enqueue_dma source(%arg12 : memref<6144xi32, #tpu.memory_space<vmem>>) target(%arg6 : memref<6144xi32, #tpu.memory_space<hbm>>) target_semaphore(%run_scoped3A : memref<!tpu.dma_semaphore, #tpu.memory_space<semaphore_mem>>)
        tpu.wait_dma2 semaphore(%run_scoped3A : memref<!tpu.dma_semaphore, #tpu.memory_space<semaphore_mem>>) src(%arg12 : memref<6144xi32, #tpu.memory_space<vmem>>) dst(%arg6 : memref<6144xi32, #tpu.memory_space<hbm>>)
        tpu.yield
      }) : () -> ()
      "tpu.region"() ({
        %run_scoped3A = tpu.sem_alloc : memref<!tpu.dma_semaphore, #tpu.memory_space<semaphore_mem>>
        tpu.enqueue_dma source(%arg13 : memref<6144xf32, #tpu.memory_space<vmem>>) target(%arg7 : memref<6144xf32, #tpu.memory_space<hbm>>) target_semaphore(%run_scoped3A : memref<!tpu.dma_semaphore, #tpu.memory_space<semaphore_mem>>)
        tpu.wait_dma2 semaphore(%run_scoped3A : memref<!tpu.dma_semaphore, #tpu.memory_space<semaphore_mem>>) src(%arg13 : memref<6144xf32, #tpu.memory_space<vmem>>) dst(%arg7 : memref<6144xf32, #tpu.memory_space<hbm>>)
        tpu.yield
      }) : () -> ()
    } else {
    }
    return
  }
}

#map = affine_map<(d0, d1) -> (0, 0)>
#map1 = affine_map<(d0, d1) -> (0)>
module attributes {stable_mosaic.version = 14 : i64} {
  func.func @_sc_gather_body(%arg0: i32, %arg1: i32, %arg2: memref<2048x1024xf32, #tpu.memory_space<hbm>>, %arg3: memref<6144xi32, #tpu.memory_space<hbm>>, %arg4: memref<3072x1024xf32, #tpu.memory_space<hbm>>, %arg5: memref<96xi32, #tpu.memory_space<vmem>>, %arg6: memref<96x1024xf32, #tpu.memory_space<vmem>>, %arg7: memref<!tpu.dma_semaphore, #tpu.memory_space<semaphore_mem>>) attributes {dimension_semantics = [#tpu.dimension_semantics<core_parallel>, #tpu.dimension_semantics<subcore_parallel>], iteration_bounds = array<i64: 2, 16>, scalar_prefetch = 0 : i64, scratch_operands = 3 : i64, tpu.core_type = #tpu.core_type<sc_vector_subcore>, window_params = [{transform_indices = #map}, {transform_indices = #map1}, {transform_indices = #map}]} {
    %mul3A = arith.constant 2 : i32
    %mul3A_0 = arith.muli %arg1, %mul3A : i32
    %add3A = arith.addi %mul3A_0, %arg0 : i32
    %mul3A_1 = arith.constant 96 : i32
    %mul3A_2 = arith.muli %add3A, %mul3A_1 : i32
    %add3A_3 = arith.constant 3072 : i32
    %add3A_4 = arith.addi %add3A_3, %mul3A_2 : i32
    "tpu.region"() ({
      %run_scoped3A = tpu.sem_alloc : memref<!tpu.dma_semaphore, #tpu.memory_space<semaphore_mem>>
      %dma_start3A_9 = tpu.memref_slice %arg3[%add3A_4] : memref<6144xi32, #tpu.memory_space<hbm>> -> memref<96xi32, #tpu.memory_space<hbm>>
      %dma_start3A_10 = tpu.memref_slice %arg3[%add3A_4] : memref<6144xi32, #tpu.memory_space<hbm>> -> memref<96xi32, #tpu.memory_space<hbm>>
      tpu.enqueue_dma source(%dma_start3A_10 : memref<96xi32, #tpu.memory_space<hbm>>) target(%arg5 : memref<96xi32, #tpu.memory_space<vmem>>) target_semaphore(%run_scoped3A : memref<!tpu.dma_semaphore, #tpu.memory_space<semaphore_mem>>)
      %dma_wait3A_11 = tpu.memref_slice %arg3[%add3A_4] : memref<6144xi32, #tpu.memory_space<hbm>> -> memref<96xi32, #tpu.memory_space<hbm>>
      %dma_wait3A_12 = tpu.memref_slice %arg3[%add3A_4] : memref<6144xi32, #tpu.memory_space<hbm>> -> memref<96xi32, #tpu.memory_space<hbm>>
      tpu.wait_dma2 semaphore(%run_scoped3A : memref<!tpu.dma_semaphore, #tpu.memory_space<semaphore_mem>>) src(%dma_wait3A_12 : memref<96xi32, #tpu.memory_space<hbm>>) dst(%arg5 : memref<96xi32, #tpu.memory_space<vmem>>)
      tpu.yield
    }) : () -> ()
    %dma_start3A = arith.constant 0 : i32
    %dma_start3A_5 = arith.constant 0 : i32
    %dma_start3A_6 = tpu.memref_slice %arg2[%dma_start3A, %dma_start3A_5] : memref<2048x1024xf32, #tpu.memory_space<hbm>> -> memref<2048x1024xf32, #tpu.memory_space<hbm>>
    tpu.enqueue_indirect_dma source(%dma_start3A_6 : memref<2048x1024xf32, #tpu.memory_space<hbm>>) target(%arg6 : memref<96x1024xf32, #tpu.memory_space<vmem>>) offsets(%arg5 : memref<96xi32, #tpu.memory_space<vmem>>) semaphore(%arg7 : memref<!tpu.dma_semaphore, #tpu.memory_space<semaphore_mem>>)
    %dma_wait3A = arith.constant 0 : i32
    %dma_wait3A_7 = arith.constant 0 : i32
    %dma_wait3A_8 = tpu.memref_slice %arg2[%dma_wait3A, %dma_wait3A_7] : memref<2048x1024xf32, #tpu.memory_space<hbm>> -> memref<2048x1024xf32, #tpu.memory_space<hbm>>
    tpu.wait_indirect_dma semaphore(%arg7 : memref<!tpu.dma_semaphore, #tpu.memory_space<semaphore_mem>>) src(%dma_wait3A_8 : memref<2048x1024xf32, #tpu.memory_space<hbm>>) dst(%arg6 : memref<96x1024xf32, #tpu.memory_space<vmem>>)
    "tpu.region"() ({
      %run_scoped3A = tpu.sem_alloc : memref<!tpu.dma_semaphore, #tpu.memory_space<semaphore_mem>>
      %dma_start3A_9 = arith.constant 0 : i32
      %dma_start3A_10 = tpu.memref_slice %arg4[%mul3A_2, %dma_start3A_9] : memref<3072x1024xf32, #tpu.memory_space<hbm>> -> memref<96x1024xf32, #tpu.memory_space<hbm>>
      %dma_start3A_11 = arith.constant 0 : i32
      %dma_start3A_12 = tpu.memref_slice %arg4[%mul3A_2, %dma_start3A_11] : memref<3072x1024xf32, #tpu.memory_space<hbm>> -> memref<96x1024xf32, #tpu.memory_space<hbm>>
      tpu.enqueue_dma source(%arg6 : memref<96x1024xf32, #tpu.memory_space<vmem>>) target(%dma_start3A_12 : memref<96x1024xf32, #tpu.memory_space<hbm>>) target_semaphore(%run_scoped3A : memref<!tpu.dma_semaphore, #tpu.memory_space<semaphore_mem>>)
      %dma_wait3A_13 = arith.constant 0 : i32
      %dma_wait3A_14 = tpu.memref_slice %arg4[%mul3A_2, %dma_wait3A_13] : memref<3072x1024xf32, #tpu.memory_space<hbm>> -> memref<96x1024xf32, #tpu.memory_space<hbm>>
      %dma_wait3A_15 = arith.constant 0 : i32
      %dma_wait3A_16 = tpu.memref_slice %arg4[%mul3A_2, %dma_wait3A_15] : memref<3072x1024xf32, #tpu.memory_space<hbm>> -> memref<96x1024xf32, #tpu.memory_space<hbm>>
      tpu.wait_dma2 semaphore(%run_scoped3A : memref<!tpu.dma_semaphore, #tpu.memory_space<semaphore_mem>>) src(%arg6 : memref<96x1024xf32, #tpu.memory_space<vmem>>) dst(%dma_wait3A_16 : memref<96x1024xf32, #tpu.memory_space<hbm>>)
      tpu.yield
    }) : () -> ()
    return
  }
}

module attributes {stable_mosaic.version = 14 : i64} {
  func.func @_ffn_body(%arg0: i32, %arg1: memref<2x24xi32, #tpu.memory_space<smem>>, %arg2: memref<6144xi32, #tpu.memory_space<smem>>, %arg3: memref<256x1024xf32, #tpu.memory_space<vmem>>, %arg4: memref<1x2048x1024xf32, #tpu.memory_space<vmem>>, %arg5: memref<1x2048x1024xf32, #tpu.memory_space<vmem>>, %arg6: memref<1x1024x2048xf32, #tpu.memory_space<vmem>>, %arg7: memref<256xf32, #tpu.memory_space<vmem>>, %arg8: memref<2048x1024xf32, #tpu.memory_space<vmem>>, %arg9: memref<256x1024xf32, #tpu.memory_space<vmem>>) attributes {dimension_semantics = [#tpu.dimension_semantics<arbitrary>], iteration_bounds = array<i64: 12>, scalar_prefetch = 2 : i64, scratch_operands = 1 : i64, tpu.core_type = #tpu.core_type<tc>, window_params = [{transform_indices = @transform_0, window_bounds = array<i64: 256, 1024>}, {transform_indices = @transform_1, window_bounds = array<i64: 1, 2048, 1024>}, {transform_indices = @transform_2, window_bounds = array<i64: 1, 2048, 1024>}, {transform_indices = @transform_3, window_bounds = array<i64: 1, 1024, 2048>}, {transform_indices = @transform_4, window_bounds = array<i64: 256>}, {pipeline_mode = #tpu.pipeline_mode<synchronous>, transform_indices = @transform_5, window_bounds = array<i64: 2048, 1024>}]} {
    %eq3A = arith.constant 0 : i32
    %eq3A_0 = arith.cmpi eq, %arg0, %eq3A : i32
    %convert_element_type3A = arith.extui %eq3A_0 : i1 to i32
    %cond3A = arith.constant 0 : i32
    %cond3A_1 = arith.cmpi ne, %convert_element_type3A, %cond3A : i32
    scf.if %cond3A_1 {
      %broadcast_in_dim3A = arith.constant 0.000000e+00 : f32
      %broadcast_in_dim3A_10 = vector.broadcast %broadcast_in_dim3A : f32 to vector<2048x1024xf32>
      %swap3A = arith.constant 0 : index
      %swap3A_11 = arith.constant 0 : index
      %swap3A_12 = vector.load %arg8[%swap3A, %swap3A_11] : memref<2048x1024xf32, #tpu.memory_space<vmem>>, vector<2048x1024xf32>
      tpu.vector_store %arg8[%swap3A, %swap3A_11], %broadcast_in_dim3A_10 {strides = array<i32>} : memref<2048x1024xf32, #tpu.memory_space<vmem>>, vector<2048x1024xf32>,
    } else {
    }
    %add3A = arith.constant 12 : i32
    %add3A_2 = arith.addi %add3A, %arg0 : i32
    %get3A = arith.constant 1 : index
    %get3A_3 = arith.index_cast %add3A_2 : i32 to index
    %get3A_4 = memref.load %arg1[%get3A, %get3A_3] : memref<2x24xi32, #tpu.memory_space<smem>>
    %eq3A_5 = arith.constant 1 : i32
    %eq3A_6 = arith.cmpi eq, %get3A_4, %eq3A_5 : i32
    %convert_element_type3A_7 = arith.extui %eq3A_6 : i1 to i32
    %cond3A_8 = arith.constant 0 : i32
    %cond3A_9 = arith.cmpi ne, %convert_element_type3A_7, %cond3A_8 : i32
    scf.if %cond3A_9 {
      %get3A_10 = arith.constant 0 : index
      %get3A_11 = arith.constant 0 : index
      %get3A_12 = vector.load %arg3[%get3A_10, %get3A_11] : memref<256x1024xf32, #tpu.memory_space<vmem>>, vector<256x1024xf32>
      %get3A_13 = arith.constant 0 : index
      %get3A_14 = arith.constant 0 : index
      %get3A_15 = arith.constant 0 : index
      %get3A_16 = vector.load %arg4[%get3A_13, %get3A_14, %get3A_15] : memref<1x2048x1024xf32, #tpu.memory_space<vmem>>, vector<1x2048x1024xf32>
      %get3A_17 = vector.shape_cast %get3A_16 : vector<1x2048x1024xf32> to vector<2048x1024xf32>
      %get3A_18 = arith.constant 0 : index
      %get3A_19 = arith.constant 0 : index
      %get3A_20 = arith.constant 0 : index
      %get3A_21 = vector.load %arg5[%get3A_18, %get3A_19, %get3A_20] : memref<1x2048x1024xf32, #tpu.memory_space<vmem>>, vector<1x2048x1024xf32>
      %get3A_22 = vector.shape_cast %get3A_21 : vector<1x2048x1024xf32> to vector<2048x1024xf32>
      %get3A_23 = arith.constant 0 : index
      %get3A_24 = arith.constant 0 : index
      %get3A_25 = arith.constant 0 : index
      %get3A_26 = vector.load %arg6[%get3A_23, %get3A_24, %get3A_25] : memref<1x1024x2048xf32, #tpu.memory_space<vmem>>, vector<1x1024x2048xf32>
      %get3A_27 = vector.shape_cast %get3A_26 : vector<1x1024x2048xf32> to vector<1024x2048xf32>
      %dot_general3A = arith.constant dense<0.000000e+00> : vector<256x2048xf32>
      %dot_general3A_28 = tpu.matmul %get3A_12, %get3A_17, %dot_general3A {dimension_numbers = #tpu.dot_dimension_numbers<[1], [1], [0], [0], [0, 0, 1, 0], [], []>, transpose_lhs_hint = false} : vector<256x1024xf32>, vector<2048x1024xf32>, vector<256x2048xf32> -> vector<256x2048xf32>
      %dot_general3A_29 = arith.constant dense<0.000000e+00> : vector<256x2048xf32>
      %dot_general3A_30 = tpu.matmul %get3A_12, %get3A_22, %dot_general3A_29 {dimension_numbers = #tpu.dot_dimension_numbers<[1], [1], [0], [0], [0, 0, 1, 0], [], []>, transpose_lhs_hint = false} : vector<256x1024xf32>, vector<2048x1024xf32>, vector<256x2048xf32> -> vector<256x2048xf32>
      %logistic3A = arith.negf %dot_general3A_28 : vector<256x2048xf32>
      %logistic3A_31 = math.exp %logistic3A : vector<256x2048xf32>
      %logistic3A_32 = arith.constant 1.000000e+00 : f32
      %logistic3A_33 = vector.broadcast %logistic3A_32 : f32 to vector<256x2048xf32>
      %logistic3A_34 = arith.addf %logistic3A_33, %logistic3A_31 : vector<256x2048xf32>
      %logistic3A_35 = arith.divf %logistic3A_33, %logistic3A_34 : vector<256x2048xf32>
      %mul3A = arith.mulf %dot_general3A_28, %logistic3A_35 : vector<256x2048xf32>
      %mul3A_36 = arith.mulf %mul3A, %dot_general3A_30 : vector<256x2048xf32>
      %dot_general3A_37 = arith.constant dense<0.000000e+00> : vector<256x1024xf32>
      %dot_general3A_38 = tpu.matmul %mul3A_36, %get3A_27, %dot_general3A_37 {dimension_numbers = #tpu.dot_dimension_numbers<[1], [1], [0], [0], [0, 0, 1, 0], [], []>, transpose_lhs_hint = false} : vector<256x2048xf32>, vector<1024x2048xf32>, vector<256x1024xf32> -> vector<256x1024xf32>
      %get3A_39 = arith.constant 0 : index
      %get3A_40 = vector.load %arg7[%get3A_39] : memref<256xf32, #tpu.memory_space<vmem>>, vector<256xf32>
      %broadcast_in_dim3A = vector.shape_cast %get3A_40 : vector<256xf32> to vector<256x1xf32>
      %mul3A_41 = vector.broadcast %broadcast_in_dim3A : vector<256x1xf32> to vector<256x1024xf32>
      %mul3A_42 = arith.mulf %dot_general3A_38, %mul3A_41 : vector<256x1024xf32>
      %swap3A = arith.constant 0 : index
      %swap3A_43 = arith.constant 0 : index
      %swap3A_44 = vector.load %arg9[%swap3A, %swap3A_43] : memref<256x1024xf32, #tpu.memory_space<vmem>>, vector<256x1024xf32>
      tpu.vector_store %arg9[%swap3A, %swap3A_43], %mul3A_42 {strides = array<i32>} : memref<256x1024xf32, #tpu.memory_space<vmem>>, vector<256x1024xf32>,
      %scan3A = arith.constant 0 : i32
      %scan3A_45 = arith.constant 256 : i32
      %scan3A_46 = arith.addi %scan3A, %scan3A_45 : i32
      %scan3A_47 = arith.constant 1 : i32
      scf.for %scan3A_49 = %scan3A to %scan3A_46 step %scan3A_47  : i32 {
        %add3A_50 = arith.constant 12 : i32
        %add3A_51 = arith.addi %add3A_50, %arg0 : i32
        %mul3A_52 = arith.constant 256 : i32
        %mul3A_53 = arith.muli %add3A_51, %mul3A_52 : i32
        %add3A_54 = arith.addi %mul3A_53, %scan3A_49 : i32
        %get3A_55 = arith.index_cast %add3A_54 : i32 to index
        %get3A_56 = memref.load %arg2[%get3A_55] : memref<6144xi32, #tpu.memory_space<smem>>
        %get3A_57 = arith.index_cast %get3A_56 : i32 to index
        %get3A_58 = arith.constant 0 : index
        %get3A_59 = vector.load %arg8[%get3A_57, %get3A_58] : memref<2048x1024xf32, #tpu.memory_space<vmem>>, vector<1x1024xf32>
        %get3A_60 = arith.index_cast %scan3A_49 : i32 to index
        %get3A_61 = arith.constant 0 : index
        %get3A_62 = vector.load %arg9[%get3A_60, %get3A_61] : memref<256x1024xf32, #tpu.memory_space<vmem>>, vector<1x1024xf32>
        %add3A_63 = arith.addf %get3A_59, %get3A_62 : vector<1x1024xf32>
        %swap3A_64 = arith.index_cast %get3A_56 : i32 to index
        %swap3A_65 = arith.constant 0 : index
        %swap3A_66 = vector.load %arg8[%swap3A_64, %swap3A_65] : memref<2048x1024xf32, #tpu.memory_space<vmem>>, vector<1x1024xf32>
        tpu.vector_store %arg8[%swap3A_64, %swap3A_65], %add3A_63 {strides = array<i32>} : memref<2048x1024xf32, #tpu.memory_space<vmem>>, vector<1x1024xf32>,
      }
      %scan3A_48 = arith.constant 256 : i32
    } else {
    }
    return
  }
  func.func @transform_0(%arg0: i32, %arg1: memref<2x24xi32, #tpu.memory_space<smem>>, %arg2: memref<6144xi32, #tpu.memory_space<smem>>) -> (i32, i32) {
    %c0_i32 = arith.constant 0 : i32
    %c0_i32_0 = arith.constant 0 : i32
    return %arg0, %c0_i32 : i32, i32
  }
  func.func @transform_1(%arg0: i32, %arg1: memref<2x24xi32, #tpu.memory_space<smem>>, %arg2: memref<6144xi32, #tpu.memory_space<smem>>) -> (i32, i32, i32) {
    %add3A = arith.constant 12 : i32
    %add3A_0 = arith.addi %add3A, %arg0 : i32
    %get3A = arith.constant 0 : index
    %get3A_1 = arith.index_cast %add3A_0 : i32 to index
    %get3A_2 = memref.load %arg1[%get3A, %get3A_1] : memref<2x24xi32, #tpu.memory_space<smem>>
    %c0_i32 = arith.constant 0 : i32
    %c0_i32_3 = arith.constant 0 : i32
    %c0_i32_4 = arith.constant 0 : i32
    return %get3A_2, %c0_i32, %c0_i32_3 : i32, i32, i32
  }
  func.func @transform_2(%arg0: i32, %arg1: memref<2x24xi32, #tpu.memory_space<smem>>, %arg2: memref<6144xi32, #tpu.memory_space<smem>>) -> (i32, i32, i32) {
    %add3A = arith.constant 12 : i32
    %add3A_0 = arith.addi %add3A, %arg0 : i32
    %get3A = arith.constant 0 : index
    %get3A_1 = arith.index_cast %add3A_0 : i32 to index
    %get3A_2 = memref.load %arg1[%get3A, %get3A_1] : memref<2x24xi32, #tpu.memory_space<smem>>
    %c0_i32 = arith.constant 0 : i32
    %c0_i32_3 = arith.constant 0 : i32
    %c0_i32_4 = arith.constant 0 : i32
    return %get3A_2, %c0_i32, %c0_i32_3 : i32, i32, i32
  }
  func.func @transform_3(%arg0: i32, %arg1: memref<2x24xi32, #tpu.memory_space<smem>>, %arg2: memref<6144xi32, #tpu.memory_space<smem>>) -> (i32, i32, i32) {
    %add3A = arith.constant 12 : i32
    %add3A_0 = arith.addi %add3A, %arg0 : i32
    %get3A = arith.constant 0 : index
    %get3A_1 = arith.index_cast %add3A_0 : i32 to index
    %get3A_2 = memref.load %arg1[%get3A, %get3A_1] : memref<2x24xi32, #tpu.memory_space<smem>>
    %c0_i32 = arith.constant 0 : i32
    %c0_i32_3 = arith.constant 0 : i32
    %c0_i32_4 = arith.constant 0 : i32
    return %get3A_2, %c0_i32, %c0_i32_3 : i32, i32, i32
  }
  func.func @transform_4(%arg0: i32, %arg1: memref<2x24xi32, #tpu.memory_space<smem>>, %arg2: memref<6144xi32, #tpu.memory_space<smem>>) -> i32 {
    %add3A = arith.constant 12 : i32
    %add3A_0 = arith.addi %add3A, %arg0 : i32
    %c0_i32 = arith.constant 0 : i32
    return %add3A_0 : i32
  }
  func.func @transform_5(%arg0: i32, %arg1: memref<2x24xi32, #tpu.memory_space<smem>>, %arg2: memref<6144xi32, #tpu.memory_space<smem>>) -> (i32, i32) {
    %c0_i32 = arith.constant 0 : i32
    %c0_i32_0 = arith.constant 0 : i32
    %c0_i32_1 = arith.constant 0 : i32
    return %c0_i32, %c0_i32_0 : i32, i32
  }
}

module attributes {stable_mosaic.version = 14 : i64} {
  func.func @_router_body(%arg0: memref<2048x1024xf32, #tpu.memory_space<vmem>>, %arg1: memref<128x1024xf32, #tpu.memory_space<vmem>>, %arg2: memref<2048x8xf32, #tpu.memory_space<vmem>>, %arg3: memref<2048xi32, #tpu.memory_space<vmem>>, %arg4: memref<2048xi32, #tpu.memory_space<vmem>>, %arg5: memref<2048xf32, #tpu.memory_space<vmem>>, %arg6: memref<2048xf32, #tpu.memory_space<vmem>>, %arg7: memref<2x24xi32, #tpu.memory_space<vmem>>) attributes {dimension_semantics = [], scalar_prefetch = 0 : i64, scratch_operands = 0 : i64, tpu.core_type = #tpu.core_type<tc>} {
    %get3A = arith.constant 0 : index
    %get3A_0 = arith.constant 0 : index
    %get3A_1 = vector.load %arg0[%get3A, %get3A_0] : memref<2048x1024xf32, #tpu.memory_space<vmem>>, vector<2048x1024xf32>
    %get3A_2 = arith.constant 0 : index
    %get3A_3 = arith.constant 0 : index
    %get3A_4 = vector.load %arg1[%get3A_2, %get3A_3] : memref<128x1024xf32, #tpu.memory_space<vmem>>, vector<128x1024xf32>
    %dot_general3A = arith.constant dense<0.000000e+00> : vector<2048x128xf32>
    %dot_general3A_5 = tpu.matmul %get3A_1, %get3A_4, %dot_general3A {dimension_numbers = #tpu.dot_dimension_numbers<[1], [1], [0], [0], [0, 0, 1, 0], [], []>, transpose_lhs_hint = false} : vector<2048x1024xf32>, vector<128x1024xf32>, vector<2048x128xf32> -> vector<2048x128xf32>
    %iota3A = tpu.iota {dimensions = array<i32: 1>} : vector<2048x128xi32>
    %lt3A = arith.constant 8 : i32
    %lt3A_6 = vector.broadcast %lt3A : i32 to vector<2048x128xi32>
    %lt3A_7 = arith.cmpi slt, %iota3A, %lt3A_6 : vector<2048x128xi32>
    %jit3A = arith.constant -1.000000e+30 : f32
    %broadcast_in_dim3A = vector.broadcast %jit3A : f32 to vector<2048x128xf32>
    %select_n3A = arith.select %lt3A_7, %dot_general3A_5, %broadcast_in_dim3A : vector<2048x128xi1>, vector<2048x128xf32>
    %reduce_max3A = arith.constant dense<0xFF800000> : vector<2048xf32>
    %reduce_max3A_8 = vector.multi_reduction <maximumf>, %select_n3A, %reduce_max3A [1] : vector<2048x128xf32> to vector<2048xf32>
    %broadcast_in_dim3A_9 = vector.shape_cast %reduce_max3A_8 : vector<2048xf32> to vector<2048x1xf32>
    %sub3A = vector.broadcast %broadcast_in_dim3A_9 : vector<2048x1xf32> to vector<2048x128xf32>
    %sub3A_10 = arith.subf %select_n3A, %sub3A : vector<2048x128xf32>
    %exp3A = math.exp %sub3A_10 : vector<2048x128xf32>
    %reduce_sum3A = arith.constant dense<0.000000e+00> : vector<2048xf32>
    %reduce_sum3A_11 = vector.multi_reduction <add>, %exp3A, %reduce_sum3A [1] : vector<2048x128xf32> to vector<2048xf32>
    %broadcast_in_dim3A_12 = vector.shape_cast %reduce_sum3A_11 : vector<2048xf32> to vector<2048x1xf32>
    %div3A = vector.broadcast %broadcast_in_dim3A_12 : vector<2048x1xf32> to vector<2048x128xf32>
    %div3A_13 = arith.divf %exp3A, %div3A : vector<2048x128xf32>
    %reduce_max3A_14 = arith.constant dense<0xFF800000> : vector<2048xf32>
    %reduce_max3A_15 = vector.multi_reduction <maximumf>, %div3A_13, %reduce_max3A_14 [1] : vector<2048x128xf32> to vector<2048xf32>
    %broadcast_in_dim3A_16 = vector.shape_cast %reduce_max3A_15 : vector<2048xf32> to vector<2048x1xf32>
    %eq3A = vector.broadcast %broadcast_in_dim3A_16 : vector<2048x1xf32> to vector<2048x128xf32>
    %eq3A_17 = arith.cmpf oeq, %div3A_13, %eq3A : vector<2048x128xf32>
    %jit3A_18 = arith.constant 128 : i32
    %broadcast_in_dim3A_19 = vector.broadcast %jit3A_18 : i32 to vector<2048x128xi32>
    %select_n3A_20 = arith.select %eq3A_17, %iota3A, %broadcast_in_dim3A_19 : vector<2048x128xi1>, vector<2048x128xi32>
    %reduce_min3A = arith.constant dense<2147483647> : vector<2048xi32>
    %reduce_min3A_21 = vector.multi_reduction <minsi>, %select_n3A_20, %reduce_min3A [1] : vector<2048x128xi32> to vector<2048xi32>
    %broadcast_in_dim3A_22 = vector.shape_cast %reduce_min3A_21 : vector<2048xi32> to vector<2048x1xi32>
    %eq3A_23 = vector.broadcast %broadcast_in_dim3A_22 : vector<2048x1xi32> to vector<2048x128xi32>
    %eq3A_24 = arith.cmpi eq, %iota3A, %eq3A_23 : vector<2048x128xi32>
    %jit3A_25 = arith.constant -1.000000e+00 : f32
    %broadcast_in_dim3A_26 = vector.broadcast %jit3A_25 : f32 to vector<2048x128xf32>
    %select_n3A_27 = arith.select %eq3A_24, %broadcast_in_dim3A_26, %div3A_13 : vector<2048x128xi1>, vector<2048x128xf32>
    %reduce_max3A_28 = arith.constant dense<0xFF800000> : vector<2048xf32>
    %reduce_max3A_29 = vector.multi_reduction <maximumf>, %select_n3A_27, %reduce_max3A_28 [1] : vector<2048x128xf32> to vector<2048xf32>
    %broadcast_in_dim3A_30 = vector.shape_cast %reduce_max3A_29 : vector<2048xf32> to vector<2048x1xf32>
    %eq3A_31 = vector.broadcast %broadcast_in_dim3A_30 : vector<2048x1xf32> to vector<2048x128xf32>
    %eq3A_32 = arith.cmpf oeq, %select_n3A_27, %eq3A_31 : vector<2048x128xf32>
    %jit3A_33 = arith.constant 128 : i32
    %broadcast_in_dim3A_34 = vector.broadcast %jit3A_33 : i32 to vector<2048x128xi32>
    %select_n3A_35 = arith.select %eq3A_32, %iota3A, %broadcast_in_dim3A_34 : vector<2048x128xi1>, vector<2048x128xi32>
    %reduce_min3A_36 = arith.constant dense<2147483647> : vector<2048xi32>
    %reduce_min3A_37 = vector.multi_reduction <minsi>, %select_n3A_35, %reduce_min3A_36 [1] : vector<2048x128xi32> to vector<2048xi32>
    %broadcast_in_dim3A_38 = vector.shape_cast %reduce_min3A_37 : vector<2048xi32> to vector<2048x1xi32>
    %add3A = arith.addf %broadcast_in_dim3A_16, %broadcast_in_dim3A_30 : vector<2048x1xf32>
    %eq3A_39 = vector.broadcast %broadcast_in_dim3A_22 : vector<2048x1xi32> to vector<2048x128xi32>
    %eq3A_40 = arith.cmpi eq, %iota3A, %eq3A_39 : vector<2048x128xi32>
    %eq3A_41 = vector.broadcast %broadcast_in_dim3A_38 : vector<2048x1xi32> to vector<2048x128xi32>
    %eq3A_42 = arith.cmpi eq, %iota3A, %eq3A_41 : vector<2048x128xi32>
    %or3A = arith.ori %eq3A_40, %eq3A_42 : vector<2048x128xi1>
    %jit3A_43 = arith.constant 1.000000e+00 : f32
    %jit3A_44 = arith.constant 0.000000e+00 : f32
    %broadcast_in_dim3A_45 = vector.broadcast %jit3A_43 : f32 to vector<2048x128xf32>
    %broadcast_in_dim3A_46 = vector.broadcast %jit3A_44 : f32 to vector<2048x128xf32>
    %select_n3A_47 = arith.select %or3A, %broadcast_in_dim3A_45, %broadcast_in_dim3A_46 : vector<2048x128xi1>, vector<2048x128xf32>
    %iota3A_48 = tpu.iota {dimensions = array<i32: 0>} : vector<2048x2048xi32>
    %iota3A_49 = tpu.iota {dimensions = array<i32: 1>} : vector<2048x2048xi32>
    %gt3A = arith.cmpi sgt, %iota3A_48, %iota3A_49 : vector<2048x2048xi32>
    %jit3A_50 = arith.constant 1.000000e+00 : f32
    %jit3A_51 = arith.constant 0.000000e+00 : f32
    %broadcast_in_dim3A_52 = vector.broadcast %jit3A_50 : f32 to vector<2048x2048xf32>
    %broadcast_in_dim3A_53 = vector.broadcast %jit3A_51 : f32 to vector<2048x2048xf32>
    %select_n3A_54 = arith.select %gt3A, %broadcast_in_dim3A_52, %broadcast_in_dim3A_53 : vector<2048x2048xi1>, vector<2048x2048xf32>
    %dot_general3A_55 = arith.constant dense<0.000000e+00> : vector<2048x128xf32>
    %dot_general3A_56 = tpu.matmul %select_n3A_54, %select_n3A_47, %dot_general3A_55 {dimension_numbers = #tpu.dot_dimension_numbers<[1], [0], [0], [1], [0, 0, 1, 1], [], []>, transpose_lhs_hint = false} : vector<2048x2048xf32>, vector<2048x128xf32>, vector<2048x128xf32> -> vector<2048x128xf32>
    %reduce_sum3A_57 = arith.constant dense<0.000000e+00> : vector<128xf32>
    %reduce_sum3A_58 = vector.multi_reduction <add>, %select_n3A_47, %reduce_sum3A_57 [0] : vector<2048x128xf32> to vector<128xf32>
    %broadcast_in_dim3A_59 = vector.shape_cast %reduce_sum3A_58 : vector<128xf32> to vector<1x128xf32>
    %div3A_60 = arith.constant 2.560000e+02 : f32
    %div3A_61 = vector.broadcast %div3A_60 : f32 to vector<1x128xf32>
    %div3A_62 = arith.divf %broadcast_in_dim3A_59, %div3A_61 : vector<1x128xf32>
    %ceil3A = math.ceil %div3A_62 : vector<1x128xf32>
    %mul3A = arith.constant 2.560000e+02 : f32
    %mul3A_63 = vector.broadcast %mul3A : f32 to vector<1x128xf32>
    %mul3A_64 = arith.mulf %ceil3A, %mul3A_63 : vector<1x128xf32>
    %iota3A_65 = tpu.iota {dimensions = array<i32: 0>} : vector<128x128xi32>
    %iota3A_66 = tpu.iota {dimensions = array<i32: 1>} : vector<128x128xi32>
    %lt3A_67 = arith.cmpi slt, %iota3A_65, %iota3A_66 : vector<128x128xi32>
    %jit3A_68 = arith.constant 1.000000e+00 : f32
    %jit3A_69 = arith.constant 0.000000e+00 : f32
    %broadcast_in_dim3A_70 = vector.broadcast %jit3A_68 : f32 to vector<128x128xf32>
    %broadcast_in_dim3A_71 = vector.broadcast %jit3A_69 : f32 to vector<128x128xf32>
    %select_n3A_72 = arith.select %lt3A_67, %broadcast_in_dim3A_70, %broadcast_in_dim3A_71 : vector<128x128xi1>, vector<128x128xf32>
    %dot_general3A_73 = arith.constant dense<0.000000e+00> : vector<1x128xf32>
    %dot_general3A_74 = tpu.matmul %mul3A_64, %select_n3A_72, %dot_general3A_73 {dimension_numbers = #tpu.dot_dimension_numbers<[1], [0], [0], [1], [0, 0, 1, 1], [], []>, transpose_lhs_hint = false} : vector<1x128xf32>, vector<128x128xf32>, vector<1x128xf32> -> vector<1x128xf32>
    %add3A_75 = arith.addf %dot_general3A_74, %mul3A_64 : vector<1x128xf32>
    %add3A_76 = vector.broadcast %dot_general3A_74 : vector<1x128xf32> to vector<2048x128xf32>
    %add3A_77 = arith.addf %add3A_76, %dot_general3A_56 : vector<2048x128xf32>
    %jit3A_78 = arith.constant 0.000000e+00 : f32
    %broadcast_in_dim3A_79 = vector.broadcast %jit3A_78 : f32 to vector<2048x128xf32>
    %select_n3A_80 = arith.select %eq3A_40, %add3A_77, %broadcast_in_dim3A_79 : vector<2048x128xi1>, vector<2048x128xf32>
    %reduce_sum3A_81 = arith.constant dense<0.000000e+00> : vector<2048xf32>
    %reduce_sum3A_82 = vector.multi_reduction <add>, %select_n3A_80, %reduce_sum3A_81 [1] : vector<2048x128xf32> to vector<2048xf32>
    %broadcast_in_dim3A_83 = vector.shape_cast %reduce_sum3A_82 : vector<2048xf32> to vector<2048x1xf32>
    %jit3A_84 = arith.constant 0.000000e+00 : f32
    %broadcast_in_dim3A_85 = vector.broadcast %jit3A_84 : f32 to vector<2048x128xf32>
    %select_n3A_86 = arith.select %eq3A_42, %add3A_77, %broadcast_in_dim3A_85 : vector<2048x128xi1>, vector<2048x128xf32>
    %reduce_sum3A_87 = arith.constant dense<0.000000e+00> : vector<2048xf32>
    %reduce_sum3A_88 = vector.multi_reduction <add>, %select_n3A_86, %reduce_sum3A_87 [1] : vector<2048x128xf32> to vector<2048xf32>
    %broadcast_in_dim3A_89 = vector.shape_cast %reduce_sum3A_88 : vector<2048xf32> to vector<2048x1xf32>
    %iota3A_90 = tpu.iota {dimensions = array<i32: 0>} : vector<128x128xi32>
    %mul3A_91 = arith.constant 256 : i32
    %mul3A_92 = vector.broadcast %mul3A_91 : i32 to vector<128x128xi32>
    %mul3A_93 = arith.muli %iota3A_90, %mul3A_92 : vector<128x128xi32>
    %convert_element_type3A = arith.sitofp %mul3A_93 : vector<128x128xi32> to vector<128x128xf32>
    %iota3A_94 = tpu.iota {dimensions = array<i32: 1>} : vector<128x128xi32>
    %broadcast_in_dim3A_95 = vector.shape_cast %add3A_75 : vector<1x128xf32> to vector<1x128xf32>
    %broadcast_in_dim3A_96 = vector.broadcast %broadcast_in_dim3A_95 : vector<1x128xf32> to vector<128x128xf32>
    %ge3A = arith.cmpf oge, %convert_element_type3A, %broadcast_in_dim3A_96 : vector<128x128xf32>
    %lt3A_97 = arith.constant 8 : i32
    %lt3A_98 = vector.broadcast %lt3A_97 : i32 to vector<128x128xi32>
    %lt3A_99 = arith.cmpi slt, %iota3A_94, %lt3A_98 : vector<128x128xi32>
    %and3A = arith.andi %ge3A, %lt3A_99 : vector<128x128xi1>
    %jit3A_100 = arith.constant 1.000000e+00 : f32
    %jit3A_101 = arith.constant 0.000000e+00 : f32
    %broadcast_in_dim3A_102 = vector.broadcast %jit3A_100 : f32 to vector<128x128xf32>
    %broadcast_in_dim3A_103 = vector.broadcast %jit3A_101 : f32 to vector<128x128xf32>
    %select_n3A_104 = arith.select %and3A, %broadcast_in_dim3A_102, %broadcast_in_dim3A_103 : vector<128x128xi1>, vector<128x128xf32>
    %reduce_sum3A_105 = arith.constant dense<0.000000e+00> : vector<128xf32>
    %reduce_sum3A_106 = vector.multi_reduction <add>, %select_n3A_104, %reduce_sum3A_105 [1] : vector<128x128xf32> to vector<128xf32>
    %broadcast_in_dim3A_107 = vector.shape_cast %reduce_sum3A_106 : vector<128xf32> to vector<128x1xf32>
    %convert_element_type3A_108 = arith.fptosi %broadcast_in_dim3A_107 : vector<128x1xf32> to vector<128x1xi32>
    %slice3A = vector.extract_strided_slice %dot_general3A_5 {offsets = [0, 0], sizes = [2048, 8], strides = [1, 1]} : vector<2048x128xf32> to vector<2048x8xf32>
    %swap3A = arith.constant 0 : index
    %swap3A_109 = arith.constant 0 : index
    %swap3A_110 = vector.load %arg2[%swap3A, %swap3A_109] : memref<2048x8xf32, #tpu.memory_space<vmem>>, vector<2048x8xf32>
    tpu.vector_store %arg2[%swap3A, %swap3A_109], %slice3A {strides = array<i32>} : memref<2048x8xf32, #tpu.memory_space<vmem>>, vector<2048x8xf32>,
    %squeeze3A = vector.shape_cast %broadcast_in_dim3A_83 : vector<2048x1xf32> to vector<2048xf32>
    %convert_element_type3A_111 = arith.fptosi %squeeze3A : vector<2048xf32> to vector<2048xi32>
    %swap3A_112 = arith.constant 0 : index
    %swap3A_113 = vector.load %arg3[%swap3A_112] : memref<2048xi32, #tpu.memory_space<vmem>>, vector<2048xi32>
    tpu.vector_store %arg3[%swap3A_112], %convert_element_type3A_111 {strides = array<i32>} : memref<2048xi32, #tpu.memory_space<vmem>>, vector<2048xi32>,
    %squeeze3A_114 = vector.shape_cast %broadcast_in_dim3A_89 : vector<2048x1xf32> to vector<2048xf32>
    %convert_element_type3A_115 = arith.fptosi %squeeze3A_114 : vector<2048xf32> to vector<2048xi32>
    %swap3A_116 = arith.constant 0 : index
    %swap3A_117 = vector.load %arg4[%swap3A_116] : memref<2048xi32, #tpu.memory_space<vmem>>, vector<2048xi32>
    tpu.vector_store %arg4[%swap3A_116], %convert_element_type3A_115 {strides = array<i32>} : memref<2048xi32, #tpu.memory_space<vmem>>, vector<2048xi32>,
    %div3A_118 = arith.divf %broadcast_in_dim3A_16, %add3A : vector<2048x1xf32>
    %squeeze3A_119 = vector.shape_cast %div3A_118 : vector<2048x1xf32> to vector<2048xf32>
    %swap3A_120 = arith.constant 0 : index
    %swap3A_121 = vector.load %arg5[%swap3A_120] : memref<2048xf32, #tpu.memory_space<vmem>>, vector<2048xf32>
    tpu.vector_store %arg5[%swap3A_120], %squeeze3A_119 {strides = array<i32>} : memref<2048xf32, #tpu.memory_space<vmem>>, vector<2048xf32>,
    %div3A_122 = arith.divf %broadcast_in_dim3A_30, %add3A : vector<2048x1xf32>
    %squeeze3A_123 = vector.shape_cast %div3A_122 : vector<2048x1xf32> to vector<2048xf32>
    %swap3A_124 = arith.constant 0 : index
    %swap3A_125 = vector.load %arg6[%swap3A_124] : memref<2048xf32, #tpu.memory_space<vmem>>, vector<2048xf32>
    tpu.vector_store %arg6[%swap3A_124], %squeeze3A_123 {strides = array<i32>} : memref<2048xf32, #tpu.memory_space<vmem>>, vector<2048xf32>,
    %min3A = arith.constant 7 : i32
    %min3A_126 = vector.broadcast %min3A : i32 to vector<128x1xi32>
    %min3A_127 = arith.minsi %convert_element_type3A_108, %min3A_126 : vector<128x1xi32>
    %slice3A_128 = vector.extract_strided_slice %min3A_127 {offsets = [0, 0], sizes = [24, 1], strides = [1, 1]} : vector<128x1xi32> to vector<24x1xi32>
    %squeeze3A_129 = vector.shape_cast %slice3A_128 : vector<24x1xi32> to vector<24xi32>
    %lt3A_130 = arith.constant 8 : i32
    %lt3A_131 = vector.broadcast %lt3A_130 : i32 to vector<128x1xi32>
    %lt3A_132 = arith.cmpi slt, %convert_element_type3A_108, %lt3A_131 : vector<128x1xi32>
    %jit3A_133 = arith.constant 1 : i32
    %jit3A_134 = arith.constant 0 : i32
    %broadcast_in_dim3A_135 = vector.broadcast %jit3A_133 : i32 to vector<128x1xi32>
    %broadcast_in_dim3A_136 = vector.broadcast %jit3A_134 : i32 to vector<128x1xi32>
    %select_n3A_137 = arith.select %lt3A_132, %broadcast_in_dim3A_135, %broadcast_in_dim3A_136 : vector<128x1xi1>, vector<128x1xi32>
    %slice3A_138 = vector.extract_strided_slice %select_n3A_137 {offsets = [0, 0], sizes = [24, 1], strides = [1, 1]} : vector<128x1xi32> to vector<24x1xi32>
    %squeeze3A_139 = vector.shape_cast %slice3A_138 : vector<24x1xi32> to vector<24xi32>
    %swap3A_140 = arith.constant 0 : index
    %swap3A_141 = arith.constant 0 : index
    %swap3A_142 = vector.load %arg7[%swap3A_140, %swap3A_141] : memref<2x24xi32, #tpu.memory_space<vmem>>, vector<1x24xi32>
    %swap3A_143 = vector.shape_cast %swap3A_142 : vector<1x24xi32> to vector<24xi32>
    %swap3A_144 = vector.shape_cast %squeeze3A_129 : vector<24xi32> to vector<1x24xi32>
    tpu.vector_store %arg7[%swap3A_140, %swap3A_141], %swap3A_144 {strides = array<i32>} : memref<2x24xi32, #tpu.memory_space<vmem>>, vector<1x24xi32>,
    %swap3A_145 = arith.constant 1 : index
    %swap3A_146 = arith.constant 0 : index
    %swap3A_147 = vector.load %arg7[%swap3A_145, %swap3A_146] : memref<2x24xi32, #tpu.memory_space<vmem>>, vector<1x24xi32>
    %swap3A_148 = vector.shape_cast %swap3A_147 : vector<1x24xi32> to vector<24xi32>
    %swap3A_149 = vector.shape_cast %squeeze3A_139 : vector<24xi32> to vector<1x24xi32>
    tpu.vector_store %arg7[%swap3A_145, %swap3A_146], %swap3A_149 {strides = array<i32>} : memref<2x24xi32, #tpu.memory_space<vmem>>, vector<1x24xi32>,
    return
  }
}

module attributes {stable_mosaic.version = 14 : i64} {
  func.func @_ffn_body(%arg0: i32, %arg1: memref<2x24xi32, #tpu.memory_space<smem>>, %arg2: memref<6144xi32, #tpu.memory_space<smem>>, %arg3: memref<256x1024xf32, #tpu.memory_space<vmem>>, %arg4: memref<1x2048x1024xf32, #tpu.memory_space<vmem>>, %arg5: memref<1x2048x1024xf32, #tpu.memory_space<vmem>>, %arg6: memref<1x1024x2048xf32, #tpu.memory_space<vmem>>, %arg7: memref<256xf32, #tpu.memory_space<vmem>>, %arg8: memref<2048x1024xf32, #tpu.memory_space<vmem>>, %arg9: memref<256x1024xf32, #tpu.memory_space<vmem>>) attributes {dimension_semantics = [#tpu.dimension_semantics<arbitrary>], iteration_bounds = array<i64: 12>, scalar_prefetch = 2 : i64, scratch_operands = 1 : i64, tpu.core_type = #tpu.core_type<tc>, window_params = [{transform_indices = @transform_0, window_bounds = array<i64: 256, 1024>}, {transform_indices = @transform_1, window_bounds = array<i64: 1, 2048, 1024>}, {transform_indices = @transform_2, window_bounds = array<i64: 1, 2048, 1024>}, {transform_indices = @transform_3, window_bounds = array<i64: 1, 1024, 2048>}, {transform_indices = @transform_4, window_bounds = array<i64: 256>}, {pipeline_mode = #tpu.pipeline_mode<synchronous>, transform_indices = @transform_5, window_bounds = array<i64: 2048, 1024>}]} {
    %eq3A = arith.constant 0 : i32
    %eq3A_0 = arith.cmpi eq, %arg0, %eq3A : i32
    %convert_element_type3A = arith.extui %eq3A_0 : i1 to i32
    %cond3A = arith.constant 0 : i32
    %cond3A_1 = arith.cmpi ne, %convert_element_type3A, %cond3A : i32
    scf.if %cond3A_1 {
      %broadcast_in_dim3A = arith.constant 0.000000e+00 : f32
      %broadcast_in_dim3A_10 = vector.broadcast %broadcast_in_dim3A : f32 to vector<2048x1024xf32>
      %swap3A = arith.constant 0 : index
      %swap3A_11 = arith.constant 0 : index
      %swap3A_12 = vector.load %arg8[%swap3A, %swap3A_11] : memref<2048x1024xf32, #tpu.memory_space<vmem>>, vector<2048x1024xf32>
      tpu.vector_store %arg8[%swap3A, %swap3A_11], %broadcast_in_dim3A_10 {strides = array<i32>} : memref<2048x1024xf32, #tpu.memory_space<vmem>>, vector<2048x1024xf32>,
    } else {
    }
    %add3A = arith.constant 0 : i32
    %add3A_2 = arith.addi %add3A, %arg0 : i32
    %get3A = arith.constant 1 : index
    %get3A_3 = arith.index_cast %add3A_2 : i32 to index
    %get3A_4 = memref.load %arg1[%get3A, %get3A_3] : memref<2x24xi32, #tpu.memory_space<smem>>
    %eq3A_5 = arith.constant 1 : i32
    %eq3A_6 = arith.cmpi eq, %get3A_4, %eq3A_5 : i32
    %convert_element_type3A_7 = arith.extui %eq3A_6 : i1 to i32
    %cond3A_8 = arith.constant 0 : i32
    %cond3A_9 = arith.cmpi ne, %convert_element_type3A_7, %cond3A_8 : i32
    scf.if %cond3A_9 {
      %get3A_10 = arith.constant 0 : index
      %get3A_11 = arith.constant 0 : index
      %get3A_12 = vector.load %arg3[%get3A_10, %get3A_11] : memref<256x1024xf32, #tpu.memory_space<vmem>>, vector<256x1024xf32>
      %get3A_13 = arith.constant 0 : index
      %get3A_14 = arith.constant 0 : index
      %get3A_15 = arith.constant 0 : index
      %get3A_16 = vector.load %arg4[%get3A_13, %get3A_14, %get3A_15] : memref<1x2048x1024xf32, #tpu.memory_space<vmem>>, vector<1x2048x1024xf32>
      %get3A_17 = vector.shape_cast %get3A_16 : vector<1x2048x1024xf32> to vector<2048x1024xf32>
      %get3A_18 = arith.constant 0 : index
      %get3A_19 = arith.constant 0 : index
      %get3A_20 = arith.constant 0 : index
      %get3A_21 = vector.load %arg5[%get3A_18, %get3A_19, %get3A_20] : memref<1x2048x1024xf32, #tpu.memory_space<vmem>>, vector<1x2048x1024xf32>
      %get3A_22 = vector.shape_cast %get3A_21 : vector<1x2048x1024xf32> to vector<2048x1024xf32>
      %get3A_23 = arith.constant 0 : index
      %get3A_24 = arith.constant 0 : index
      %get3A_25 = arith.constant 0 : index
      %get3A_26 = vector.load %arg6[%get3A_23, %get3A_24, %get3A_25] : memref<1x1024x2048xf32, #tpu.memory_space<vmem>>, vector<1x1024x2048xf32>
      %get3A_27 = vector.shape_cast %get3A_26 : vector<1x1024x2048xf32> to vector<1024x2048xf32>
      %dot_general3A = arith.constant dense<0.000000e+00> : vector<256x2048xf32>
      %dot_general3A_28 = tpu.matmul %get3A_12, %get3A_17, %dot_general3A {dimension_numbers = #tpu.dot_dimension_numbers<[1], [1], [0], [0], [0, 0, 1, 0], [], []>, transpose_lhs_hint = false} : vector<256x1024xf32>, vector<2048x1024xf32>, vector<256x2048xf32> -> vector<256x2048xf32>
      %dot_general3A_29 = arith.constant dense<0.000000e+00> : vector<256x2048xf32>
      %dot_general3A_30 = tpu.matmul %get3A_12, %get3A_22, %dot_general3A_29 {dimension_numbers = #tpu.dot_dimension_numbers<[1], [1], [0], [0], [0, 0, 1, 0], [], []>, transpose_lhs_hint = false} : vector<256x1024xf32>, vector<2048x1024xf32>, vector<256x2048xf32> -> vector<256x2048xf32>
      %logistic3A = arith.negf %dot_general3A_28 : vector<256x2048xf32>
      %logistic3A_31 = math.exp %logistic3A : vector<256x2048xf32>
      %logistic3A_32 = arith.constant 1.000000e+00 : f32
      %logistic3A_33 = vector.broadcast %logistic3A_32 : f32 to vector<256x2048xf32>
      %logistic3A_34 = arith.addf %logistic3A_33, %logistic3A_31 : vector<256x2048xf32>
      %logistic3A_35 = arith.divf %logistic3A_33, %logistic3A_34 : vector<256x2048xf32>
      %mul3A = arith.mulf %dot_general3A_28, %logistic3A_35 : vector<256x2048xf32>
      %mul3A_36 = arith.mulf %mul3A, %dot_general3A_30 : vector<256x2048xf32>
      %dot_general3A_37 = arith.constant dense<0.000000e+00> : vector<256x1024xf32>
      %dot_general3A_38 = tpu.matmul %mul3A_36, %get3A_27, %dot_general3A_37 {dimension_numbers = #tpu.dot_dimension_numbers<[1], [1], [0], [0], [0, 0, 1, 0], [], []>, transpose_lhs_hint = false} : vector<256x2048xf32>, vector<1024x2048xf32>, vector<256x1024xf32> -> vector<256x1024xf32>
      %get3A_39 = arith.constant 0 : index
      %get3A_40 = vector.load %arg7[%get3A_39] : memref<256xf32, #tpu.memory_space<vmem>>, vector<256xf32>
      %broadcast_in_dim3A = vector.shape_cast %get3A_40 : vector<256xf32> to vector<256x1xf32>
      %mul3A_41 = vector.broadcast %broadcast_in_dim3A : vector<256x1xf32> to vector<256x1024xf32>
      %mul3A_42 = arith.mulf %dot_general3A_38, %mul3A_41 : vector<256x1024xf32>
      %swap3A = arith.constant 0 : index
      %swap3A_43 = arith.constant 0 : index
      %swap3A_44 = vector.load %arg9[%swap3A, %swap3A_43] : memref<256x1024xf32, #tpu.memory_space<vmem>>, vector<256x1024xf32>
      tpu.vector_store %arg9[%swap3A, %swap3A_43], %mul3A_42 {strides = array<i32>} : memref<256x1024xf32, #tpu.memory_space<vmem>>, vector<256x1024xf32>,
      %scan3A = arith.constant 0 : i32
      %scan3A_45 = arith.constant 256 : i32
      %scan3A_46 = arith.addi %scan3A, %scan3A_45 : i32
      %scan3A_47 = arith.constant 1 : i32
      scf.for %scan3A_49 = %scan3A to %scan3A_46 step %scan3A_47  : i32 {
        %add3A_50 = arith.constant 0 : i32
        %add3A_51 = arith.addi %add3A_50, %arg0 : i32
        %mul3A_52 = arith.constant 256 : i32
        %mul3A_53 = arith.muli %add3A_51, %mul3A_52 : i32
        %add3A_54 = arith.addi %mul3A_53, %scan3A_49 : i32
        %get3A_55 = arith.index_cast %add3A_54 : i32 to index
        %get3A_56 = memref.load %arg2[%get3A_55] : memref<6144xi32, #tpu.memory_space<smem>>
        %get3A_57 = arith.index_cast %get3A_56 : i32 to index
        %get3A_58 = arith.constant 0 : index
        %get3A_59 = vector.load %arg8[%get3A_57, %get3A_58] : memref<2048x1024xf32, #tpu.memory_space<vmem>>, vector<1x1024xf32>
        %get3A_60 = arith.index_cast %scan3A_49 : i32 to index
        %get3A_61 = arith.constant 0 : index
        %get3A_62 = vector.load %arg9[%get3A_60, %get3A_61] : memref<256x1024xf32, #tpu.memory_space<vmem>>, vector<1x1024xf32>
        %add3A_63 = arith.addf %get3A_59, %get3A_62 : vector<1x1024xf32>
        %swap3A_64 = arith.index_cast %get3A_56 : i32 to index
        %swap3A_65 = arith.constant 0 : index
        %swap3A_66 = vector.load %arg8[%swap3A_64, %swap3A_65] : memref<2048x1024xf32, #tpu.memory_space<vmem>>, vector<1x1024xf32>
        tpu.vector_store %arg8[%swap3A_64, %swap3A_65], %add3A_63 {strides = array<i32>} : memref<2048x1024xf32, #tpu.memory_space<vmem>>, vector<1x1024xf32>,
      }
      %scan3A_48 = arith.constant 256 : i32
    } else {
    }
    return
  }
  func.func @transform_0(%arg0: i32, %arg1: memref<2x24xi32, #tpu.memory_space<smem>>, %arg2: memref<6144xi32, #tpu.memory_space<smem>>) -> (i32, i32) {
    %c0_i32 = arith.constant 0 : i32
    %c0_i32_0 = arith.constant 0 : i32
    return %arg0, %c0_i32 : i32, i32
  }
  func.func @transform_1(%arg0: i32, %arg1: memref<2x24xi32, #tpu.memory_space<smem>>, %arg2: memref<6144xi32, #tpu.memory_space<smem>>) -> (i32, i32, i32) {
    %add3A = arith.constant 0 : i32
    %add3A_0 = arith.addi %add3A, %arg0 : i32
    %get3A = arith.constant 0 : index
    %get3A_1 = arith.index_cast %add3A_0 : i32 to index
    %get3A_2 = memref.load %arg1[%get3A, %get3A_1] : memref<2x24xi32, #tpu.memory_space<smem>>
    %c0_i32 = arith.constant 0 : i32
    %c0_i32_3 = arith.constant 0 : i32
    %c0_i32_4 = arith.constant 0 : i32
    return %get3A_2, %c0_i32, %c0_i32_3 : i32, i32, i32
  }
  func.func @transform_2(%arg0: i32, %arg1: memref<2x24xi32, #tpu.memory_space<smem>>, %arg2: memref<6144xi32, #tpu.memory_space<smem>>) -> (i32, i32, i32) {
    %add3A = arith.constant 0 : i32
    %add3A_0 = arith.addi %add3A, %arg0 : i32
    %get3A = arith.constant 0 : index
    %get3A_1 = arith.index_cast %add3A_0 : i32 to index
    %get3A_2 = memref.load %arg1[%get3A, %get3A_1] : memref<2x24xi32, #tpu.memory_space<smem>>
    %c0_i32 = arith.constant 0 : i32
    %c0_i32_3 = arith.constant 0 : i32
    %c0_i32_4 = arith.constant 0 : i32
    return %get3A_2, %c0_i32, %c0_i32_3 : i32, i32, i32
  }
  func.func @transform_3(%arg0: i32, %arg1: memref<2x24xi32, #tpu.memory_space<smem>>, %arg2: memref<6144xi32, #tpu.memory_space<smem>>) -> (i32, i32, i32) {
    %add3A = arith.constant 0 : i32
    %add3A_0 = arith.addi %add3A, %arg0 : i32
    %get3A = arith.constant 0 : index
    %get3A_1 = arith.index_cast %add3A_0 : i32 to index
    %get3A_2 = memref.load %arg1[%get3A, %get3A_1] : memref<2x24xi32, #tpu.memory_space<smem>>
    %c0_i32 = arith.constant 0 : i32
    %c0_i32_3 = arith.constant 0 : i32
    %c0_i32_4 = arith.constant 0 : i32
    return %get3A_2, %c0_i32, %c0_i32_3 : i32, i32, i32
  }
  func.func @transform_4(%arg0: i32, %arg1: memref<2x24xi32, #tpu.memory_space<smem>>, %arg2: memref<6144xi32, #tpu.memory_space<smem>>) -> i32 {
    %add3A = arith.constant 0 : i32
    %add3A_0 = arith.addi %add3A, %arg0 : i32
    %c0_i32 = arith.constant 0 : i32
    return %add3A_0 : i32
  }
  func.func @transform_5(%arg0: i32, %arg1: memref<2x24xi32, #tpu.memory_space<smem>>, %arg2: memref<6144xi32, #tpu.memory_space<smem>>) -> (i32, i32) {
    %c0_i32 = arith.constant 0 : i32
    %c0_i32_0 = arith.constant 0 : i32
    %c0_i32_1 = arith.constant 0 : i32
    return %c0_i32, %c0_i32_0 : i32, i32
  }
}

</mosaic_0001>

<sc_bundles>
// kernel: kernel.11.cloned.1.call-start
scs
__scs_entry_jumppad:
0x0: {  	(pc) =	sbr.rel $0x88, $3  }
0x1: {  	(tag) =	ssettag $0x0;
	lr =	simm.s32 $0x1  }
0x2: {  	[smem:$0x3F9C] =	sst lr;
	_ =	strace $0xD0000000  }
0x3: {  	_ = 	snop  }
0x4: {  	_ = 	snop  }
0x5: {  	_ = 	snop  }
0x6: {  	_ = 	snop  }
0x7: {  	_ = 	snop  }
__scs_overlays_trampoline_lowered:
0x8: {  	[smem:$0x3FAB] =	sst s0  }
0x9: {  	[smem:$0x3FAC] =	sst s1  }
0xa: {  	[smem:$0x3FAD] =	sst s2  }
0xb: {  	[smem:$0x3FAE] =	sst s3  }
0xc: {  	[smem:$0x3FAF] =	sst s4  }
0xd: {  	[smem:$0x3FB0] =	sst s5  }
0xe: {  	[smem:$0x3FB1] =	sst s6  }
0xf: {  	[smem:$0x3FB2] =	sst s7  }
0x10: {  	[smem:$0x3FB3] =	sst s8  }
0x11: {  	[smem:$0x3FB4] =	sst s9;
	s0 =	simm.s32 @!p0 $0x0  }
0x12: {  	s1 =	sld [smem:$0x3F9A];
	s0 =	simm.s32 @p0 $0x1  }
0x13: {  	[smem:$0x3FB5] =	sst s0;
	s0 =	simm.s32 @!p1 $0x0  }
0x14: {  	s2 =	sld [smem:$0x3F99];
	s0 =	simm.s32 @p1 $0x1  }
0x15: {  	[smem:$0x3FB6] =	sst s0;
	s0 =	simm.s32 @!p2 $0x0  }
0x16: {  	s3 =	sld [smem:$0x3FDB];
	s0 =	simm.s32 @p2 $0x1  }
0x17: {  	s4 =	simm.s32 $0x1BF5;
	[smem:$0x3FB8] =	sst s0  }
0x18: {  	s0 =	sld [smem:$0x3F9B];
	_ =	swait.ge [sflag:s4], $0x0  }
0x19: {  	s7 =	sld [smem:$0x3F9C]  }
0x1a: {  	s8 =	sadd.s32 $0xFFFFE003, lr  }
0x1b: {  	s9 =	sadd.s32 $0xFFFFFEF7, lr;
	s5 =	simm.s32 $0xFFFFFFFF;
	p2 =	slt.u32 s8, $0xFFFFF086  }
0x1c: {  	p1 =	slt.u32 s9, $0xF7A;
	s5 =	simm.s32 @!p2 $0x0  }
0x1d: {  	s5 =	simm.s32 @p1 $0x1;
	p0 =	seq.s32 s7, s2  }
0x1e: {  	s7 =	smul.u32 @!p0 $0xF7A, s2;
	p2 =	seq.s32 @!p0 s5, $0x0  }
0x1f: {  	s9 =	smul.u32 $0xF7A, s1;
	s8 =	simm.s32 @!p0 $0x1BF5;
	p2 =	por !p2, p0  }
0x20: {  	[sflag:s8] =	ssyncset.s32 @!p0 $0xFFFFF086;
	s6 =	sadd.s32 @!p0 s3, s7;
	s7 =	simm.s32 @!p0 $0x108  }
0x21: {  	s3 =	sadd.s32 s3, s9;
	s6 =	sadd.s32 @!p0 $0x88, s6;
	s7 =	simm.s32 @p2 $0x1082  }
0x22: {  	[simem:s7], [sflag:s8] =	dma.local @!p0 [hbm:s6], $0xF7A  }
0x23: {  	s9 =	sor.u32 $0xD0000000, s2;
	s6 =	simm.s32 $0x108;
	_ =	swait.ge @!p0 [sflag:s8], $0x0  }
0x24: {  	s3 =	sadd.s32 $0x88, s3;
	s6 =	simm.s32 @!p1 $0x1082;
	[sflag:s4] =	ssyncset.s32 $0xFFFFF086  }
0x25: {  	[simem:s6], [sflag:s4] =	dma.local [hbm:s3], $0xF7A  }
0x26: {  	[smem:$0x3F9C] =	sst s1;
	(tag) =	ssettag s2;
	_ =	strace s9  }
0x27: {  	s1 =	sld [smem:$0x3FAC]  }
0x28: {  	s2 =	sld [smem:$0x3FAD]  }
0x29: {  	s4 =	sld [smem:$0x3FAF]  }
0x2a: {  	p0 =	seq.s32 s5, $0x0;
	s5 =	sld [smem:$0x3FB0]  }
0x2b: {  	s6 =	sld [smem:$0x3FB1]  }
0x2c: {  	s7 =	sld [smem:$0x3FB2]  }
0x2d: {  	s3 =	simm.s32 $0x108;
	s8 =	sld [smem:$0x3FB3]  }
0x2e: {  	s3 =	simm.s32 @!p0 $0x1082;
	s9 =	sld [smem:$0x3FB4]  }
0x2f: {  	lr =	sadd.s32 s0, s3;
	s0 =	sld [smem:$0x3FAB]  }
0x30: {  	s3 =	sld [smem:$0x3FAE]  }
0x31: {  	[smem:$0x3FB7] =	sst s10  }
0x32: {  	s10 =	sld [smem:$0x3FB5];
	_ =	sdelay $0x3  }
0x33: {  	p0 =	seq.s32 s10, $0x1;
	s10 =	sld [smem:$0x3FB7];
	_ =	sdelay $0x3  }
0x34: {  	[smem:$0x3FB7] =	sst s10  }
0x35: {  	s10 =	sld [smem:$0x3FB6];
	_ =	sdelay $0x3  }
0x36: {  	p1 =	seq.s32 s10, $0x1;
	s10 =	sld [smem:$0x3FB7];
	_ =	sdelay $0x3  }
0x37: {  	[smem:$0x3FB7] =	sst s10  }
0x38: {  	s10 =	sld [smem:$0x3FB8]  }
0x39: {  	_ = 	snop;
	(pc) =	sbr.ind lr, $3  }
0x3a: {  	_ = 	snop  }
0x3b: {  	_ = 	snop  }
0x3c: {  	p2 =	seq.s32 s10, $0x1;
	s10 =	sld [smem:$0x3FB7]  }
0x3d: {  	_ =	shalt  }
0x3e: {  	_ =	shalt  }
0x3f: {  	_ =	shalt  }
0x40: {  	_ =	shalt  }
0x41: {  	_ =	shalt  }
0x42: {  	_ =	shalt  }
0x43: {  	_ =	shalt  }
0x44: {  	_ =	shalt  }
0x45: {  	_ =	shalt  }
0x46: {  	_ =	shalt  }
0x47: {  	_ =	shalt  }
0x48: {  	_ =	shalt  }
0x49: {  	_ =	shalt  }
0x4a: {  	_ =	shalt  }
0x4b: {  	_ =	shalt  }
0x4c: {  	_ =	shalt  }
0x4d: {  	_ =	shalt  }
0x4e: {  	_ =	shalt  }
0x4f: {  	_ =	shalt  }
0x50: {  	_ =	shalt  }
0x51: {  	_ =	shalt  }
0x52: {  	_ =	shalt  }
0x53: {  	_ =	shalt  }
0x54: {  	_ =	shalt  }
0x55: {  	_ =	shalt  }
0x56: {  	_ =	shalt  }
0x57: {  	_ =	shalt  }
0x58: {  	_ =	shalt  }
0x59: {  	_ =	shalt  }
0x5a: {  	_ =	shalt  }
0x5b: {  	_ =	shalt  }
0x5c: {  	_ =	shalt  }
0x5d: {  	_ =	shalt  }
0x5e: {  	_ =	shalt  }
0x5f: {  	_ =	shalt  }
0x60: {  	_ =	shalt  }
0x61: {  	_ =	shalt  }
0x62: {  	_ =	shalt  }
0x63: {  	_ =	shalt  }
0x64: {  	_ =	shalt  }
0x65: {  	_ =	shalt  }
0x66: {  	_ =	shalt  }
0x67: {  	_ =	shalt  }
0x68: {  	_ =	shalt  }
0x69: {  	_ =	shalt  }
0x6a: {  	_ =	shalt  }
0x6b: {  	_ =	shalt  }
0x6c: {  	_ =	shalt  }
0x6d: {  	_ =	shalt  }
0x6e: {  	_ =	shalt  }
0x6f: {  	_ =	shalt  }
0x70: {  	_ =	shalt  }
0x71: {  	_ =	shalt  }
0x72: {  	_ =	shalt  }
0x73: {  	_ =	shalt  }
0x74: {  	_ =	shalt  }
0x75: {  	_ =	shalt  }
0x76: {  	_ =	shalt  }
0x77: {  	_ =	shalt  }
0x78: {  	_ =	shalt  }
0x79: {  	_ =	shalt  }
0x7a: {  	_ =	shalt  }
0x7b: {  	_ =	shalt  }
0x7c: {  	_ =	shalt  }
0x7d: {  	_ =	shalt  }
0x7e: {  	_ =	shalt  }
0x7f: {  	_ =	shalt  }
0x80: {  	_ =	shalt  }
0x81: {  	_ =	shalt  }
0x82: {  	_ =	shalt  }
0x83: {  	_ =	shalt  }
0x84: {  	_ =	shalt  }
0x85: {  	_ =	shalt  }
0x86: {  	_ =	shalt  }
0x87: {  	_ =	shalt  }
.Lfunc_end0:
.L_simem_size_0:
called_computation.1_lowered:
.L_overlay_start_0:
0x88: {  	s2 =	sld [smem:$0x3FD9]  }
0x89: {  	s3 =	sld [smem:$0x3FFE];
	_ =	sdelay $0x1  }
0x8a: {  	s1 =	srdreg.scid  }
0x8b: {  	s0 =	sand.u32 $0x1, s1  }
0x8c: {  	s17 =	sshll.u32 s0, $0xA;
	s2 =	sadd.s32 s3, s2  }
0x8d: {  	s2 =	sadd.s32 s2, s17  }
0x8e: {  	[smem:$0x3FC3] =	sst s2  }
0x8f: {  	_ = 	snop  }
0x90: {  	s18 =	sld [smem:$0x3FC9];
	(tm) =	ssettm $0x1  }
0x91: {  	s19 =	sld [smem:$0x3FFB];
	_ =	sdelay $0x3  }
0x92: {  	_ =	strace s19  }
0x93: {  	s2 =	sld [smem:$0x3FFC];
	_ =	sdelay $0x3  }
0x94: {  	_ =	strace s2  }
0x95: {  	s2 =	sld [smem:$0x3FFD];
	_ =	sdelay $0x3  }
0x96: {  	_ =	strace s2  }
0x97: {  	_ =	strace $0x8FFFFFFF  }
0x98: {  	s20 =	sld [smem:$0x3FDB];
	_ =	sdelay $0x1  }
0x99: {  	s4 =	simm.s32 $_scs_section_size  }
0x9a: {  	s5 =	simm.s32 $_size__tile_overlayer_lowered;
	s6 =	simm.s32 $_tile_overlayer_lowered  }
0x9b: {  	s7 =	simm.s32 $0x1BFF;
	s21 =	sshll.u32 s6, $0x1;
	s4 =	sadd.s32 s4, s20  }
0x9c: {  	s22 =	simm.s32 $0x0;
	s5 =	sshll.u32 s5, $0x1;
	s6 =	sadd.s32 s21, s4  }
0x9d: {  	[timem:s22], [sflag:s7] =	dma.local [hbm:s6], s5  }
0x9e: {  	_ =	swait.ge [sflag:s7], s5  }
0x9f: {  	s5 =	ssub.s32 $0x0, s5;
	[sflag:s7] =	ssyncset.done $0x0  }
0xa0: {  	[sflag:s7] =	ssyncadd.s32 s5;
	_ =	sdelay $0x1  }
0xa1: {  	s23 =	simm.s32 $0x1B8B  }
0xa2: {  	_ =	swait.ge [sflag:s23], $0x1  }
0xa3: {  	[sflag:s23] =	ssyncset.done $0x0  }
0xa4: {  	[sflag:s23] =	ssyncadd.s32 $0xFFFFFFFF  }
0xa5: {  	s5 =	sld [smem:$0x0]  }
0xa6: {  	s6 =	sand.u32 $0xFFFFFFFE, s1  }
0xa7: {  	p0 =	sne.s32 s1, s6  }
0xa8: {  	s6 =	sshll.u32 @p0 s6, $0xE  }
0xa9: {  	s6 =	sadd.s32 @p0 $0x11B8D, s6;
	s7 =	sshll.u32 @p0 s5, $0x11  }
0xaa: {  	s6 =	sor.u32 @p0 s7, s6  }
0xab: {  	[sflag:s6] =	ssyncadd.remote.s32 @p0 $0x1;
	_ =	sdelay $0x1  }
0xac: {  	s6 =	simm.s32 @p0 $0x1B8D  }
0xad: {  	_ =	swait.eq @p0 [sflag:s6], $0x1  }
0xae: {  	[sflag:s6] =	ssyncadd.s32 @p0 $0xFFFFFFFF  }
0xaf: {  	s7 =	sshll.u32 @!p0 s1, $0xE  }
0xb0: {  	s7 =	sor.u32 @!p0 $0x4000, s7;
	s6 =	simm.s32 @!p0 $0x1B8D  }
0xb1: {  	s5 =	sshll.u32 @!p0 s5, $0x11;
	s7 =	sadd.s32 @!p0 $0x11B8D, s7;
	_ =	swait.eq @!p0 [sflag:s6], $0x1  }
0xb2: {  	s5 =	sor.u32 @!p0 s5, s7;
	[sflag:s6] =	ssyncadd.s32 @!p0 $0xFFFFFFFF  }
0xb3: {  	s25 =	simm.s32 $0x1B8E;
	s24 =	sld [smem:$0x3FFE];
	[sflag:s5] =	ssyncadd.remote.s32 @!p0 $0x1  }
0xb4: {  	s26 =	simm.s32 $execute0_lowered;
	[smem:$0x3FD2] =	sst s25  }
0xb5: {  	s6 =	sshll.u32 s26, $0x1;
	_ =	strace $0x8000004C;
	[dreg:$0x1] =	wrdreg $0xFFFFFFFF  }
0xb6: {  	s28 =	simm.s32 $_size_execute0_lowered;
	s4 =	sadd.s32 s4, s6;
	[dreg:$0x0] =	wrdreg $0x0  }
0xb7: {  	s6 =	sshll.u32 s28, $0x1;
	[dreg:$0x2] =	wrdreg s4  }
0xb8: {  	[dreg:$0x3] =	wrdreg s6  }
0xb9: {  	[dreg:$0x4] =	wrdreg $0xC0  }
0xba: {  	_ =	task [dreg:s22], $0x5FFFF  }
0xbb: {  	[dreg:$0x1] =	wrdreg $0xFFFFFFFF  }
0xbc: {  	[dreg:$0x0] =	wrdreg $0x60  }
0xbd: {  	[dreg:$0x2] =	wrdreg s18  }
0xbe: {  	[dreg:$0x3] =	wrdreg s24  }
0xbf: {  	[dreg:$0x4] =	wrdreg $0x9  }
0xc0: {  	_ =	task.clear_ibuf [dreg:s22], $0x5FFFF;
	_ =	strace $0x9000004C  }
0xc1: {  	s29 =	simm.s32 $0x9;
	_ =	strace $0x8000004E  }
0xc2: {  	_ =	swait.ge [sflag:s29], $0x1  }
0xc3: {  	[sflag:s29] =	ssyncadd.s32 $0xFFFFFFFF  }
0xc4: {  	_ =	strace $0x9000004E  }
0xc5: {  	_ =	sfence  }
0xc6: {  	s30 =	sld [smem:$0x0];
	_ =	sdelay $0x2  }
0xc7: {  	s31 =	sshll.u32 s1, $0xD;
	s1 =	sshrl.u32 s1, $0x2  }
0xc8: {  	s4 =	sand.u32 $0x4000, s31;
	s1 =	sadd.s32 s1, s30  }
0xc9: {  	s0 =	sor.u32 s4, s0;
	s1 =	sshll.u32 s1, $0x11  }
0xca: {  	s0 =	sor.u32 s1, s0  }
0xcb: {  	s0 =	sadd.s32 $0x8F2B, s0  }
0xcc: {  	[sflag:s0] =	ssyncadd.remote.s32 $0x1  }
0xcd: {  	_ =	sfence.sel $0xFFFF  }
0xce: {  	[dreg:$0x0] =	wrdreg $0xFFFFFFFF;
	(pc) =	sbr.abs _section_cstart, $3  }
0xcf: {  	[dreg:$0x1] =	wrdreg $0xFFFFFFFF  }
0xd0: {  	_ =	task.clear_ibuf [dreg:s22], $0x2FFFF;
	_ =	strace $0x9FFFFFFF  }
0xd1: {  	(tm) =	ssettm $0x7FFFFFFF  }
tec
execute0_lowered:
.L_overlay_start_1:
0x0: {  	(tag) =	ssettag $0x1  }
0x1: {  	s1 =	srdreg.scid;
	s0 =	stileid.u32  }
0x2: {  	s2 =	rddreg [dreg:$0x0];
	s1 =	sand.u32 $0x1, s1;
	s3 =	sshll.u32 s0, $0x1  }
0x3: {  	s5 =	rddreg [dreg:$0x1];
	s4 =	sor.u32 s1, s3;
	s3 =	simm.s32 $0x0  }
0x4: {  	s25 =	simm.s32 $0x880;
	[smem:$0x7FF] =	sst s3  }
0x5: {  	s26 =	simm.s32 $0x1080;
	_ =	strace $0x8000004D;
	[dreg:$0x5] =	wrdreg s25  }
0x6: {  	s0 =	simm.s32 $0x1880;
	[dreg:$0x6] =	wrdreg s26  }
0x7: {  	s7 =	simm.s32 $0x3080;
	[dreg:$0x7] =	wrdreg s0  }
0x8: {  	s8 =	simm.s32 $0x3880;
	[dreg:$0xa] =	wrdreg s7  }
0x9: {  	s9 =	simm.s32 $0x4080;
	[dreg:$0xb] =	wrdreg s8  }
0xa: {  	s10 =	simm.s32 $0x4880;
	[dreg:$0xc] =	wrdreg s9  }
0xb: {  	s11 =	simm.s32 $0x5080;
	[dreg:$0xd] =	wrdreg s10  }
0xc: {  	s12 =	simm.s32 $0x5880;
	[dreg:$0xe] =	wrdreg s11  }
0xd: {  	s13 =	simm.s32 $0x6080;
	[dreg:$0xf] =	wrdreg s12  }
0xe: {  	s14 =	simm.s32 $0x6880;
	[dreg:$0x10] =	wrdreg s13  }
0xf: {  	s15 =	simm.s32 $0x7080;
	s16 =	simm.s32 $0x7880;
	[dreg:$0x11] =	wrdreg s14  }
0x10: {  	s17 =	simm.s32 $0x8080;
	s18 =	simm.s32 $0x8880;
	[dreg:$0x12] =	wrdreg s15  }
0x11: {  	s19 =	simm.s32 $0x9080;
	s20 =	simm.s32 $0x9880;
	[dreg:$0x13] =	wrdreg s16  }
0x12: {  	s22 =	simm.s32 $0xA080;
	s23 =	simm.s32 $0xA880;
	[dreg:$0x14] =	wrdreg s17  }
0x13: {  	s28 =	simm.s32 $0x16080;
	s29 =	simm.s32 $0x16880;
	[dreg:$0x15] =	wrdreg s18  }
0x14: {  	s30 =	simm.s32 $0x17080;
	s31 =	simm.s32 $0x17880;
	[dreg:$0x16] =	wrdreg s19  }
0x15: {  	s1 =	ssub.s32 $0x2, s1;
	s6 =	smul.u32 $0xC, s4;
	[dreg:$0x17] =	wrdreg s20  }
0x16: {  	s4 =	smul.u32 $0x3000, s4;
	s21 =	sshrl.u32 s1, $0x1;
	[dreg:$0x18] =	wrdreg s22  }
0x17: {  	s1 =	ssub.s32 s1, s21;
	[dreg:$0x19] =	wrdreg s23;
	s7 =	simm.s32 $0xB880  }
0x18: {  	s8 =	simm.s32 $0xC080;
	s25 =	simm.s32 $0xC880;
	s26 =	simm.s32 $0xD080  }
0x19: {  	s9 =	simm.s32 $0x80;
	s11 =	simm.s32 $0xE080;
	s12 =	simm.s32 $0xE880  }
0x1a: {  	s13 =	simm.s32 $0xF080;
	s14 =	simm.s32 $0xF880;
	s15 =	simm.s32 $0x10080  }
0x1b: {  	s16 =	simm.s32 $0x10880;
	s17 =	simm.s32 $0x11080;
	s18 =	simm.s32 $0x11880  }
0x1c: {  	s19 =	simm.s32 $0x12080;
	s20 =	simm.s32 $0x12880;
	s21 =	simm.s32 $0x13080  }
0x1d: {  	s22 =	simm.s32 $0x13880;
	s23 =	simm.s32 $0x14080;
	[dreg:$0x1b] =	wrdreg s7  }
0x1e: {  	s6 =	sadd.s32 s6, s5;
	s4 =	sadd.s32 s4, s5;
	[dreg:$0x1c] =	wrdreg s8  }
0x1f: {  	s5 =	simm.s32 $0x2080;
	s7 =	smax.u32 s1, $0x1;
	[dreg:$0x1d] =	wrdreg s25  }
0x20: {  	s8 =	simm.s32 $0x2;
	[dreg:$0x1e] =	wrdreg s26;
	s25 =	simm.s32 $0x15080  }
0x21: {  	s26 =	simm.s32 $0x15880;
	s24 =	sadd.s32 $0x2400, s6;
	[dreg:$0x8] =	wrdreg s5  }
0x22: {  	s1 =	simm.s32 $0x1;
	s4 =	sadd.s32 $0x62C00, s4;
	[dreg:$0x3] =	wrdreg s24  }
0x23: {  	v2 =	vlaneseq.u32;
	s6 =	simm.s32 $0x2880;
	s5 =	sadd.s32 $0x200, s2;
	[dreg:$0x4] =	wrdreg s4  }
0x24: {  	vm0 =	vmmov $0xffff;
	v1 =	vshrl.u32 v2, $0x3;
	[dreg:$0x9] =	wrdreg s6;
	s4 =	sadd.s32 $0x100, s2;
	s24 =	simm.s32 $0xB080  }
0x25: {  	v0 =	vand.u32 $0x7, v2;
	v2 =	vor.u32 $0x8, v2;
	v1 =	vmul.u32 $0x8, v1;
	s6 =	sadd.s32 $0x300, s2;
	[dreg:$0x1a] =	wrdreg s24;
	s24 =	simm.s32 $0x14880  }
.LBB2_1:
0x26: {  	s0 =	rddreg [dreg:$0x3]  }
0x27: {  	[tilespmem:s3], [sflag:$0x2] =	stream.linear.gather [hbm4b:s0+s3], $0x60, $0x38;
	[tilespmem:$0x18080] =	vst v63  }
0x28: {  	_ =	swait.ge [sflag:s8], $0x60  }
0x29: {  	[sflag:s8] =	ssyncset.done $0x0  }
0x2a: {  	[sflag:s8] =	ssyncadd.s32 $0xFFFFFFA0  }
0x2b: {  	v3 =	vld [tilespmem:$0x0];
	_ =	sdelay $0x4  }
0x2c: {  	v4 =	vshll.u32 v3, $0x3  }
0x2d: {  	v3 =	vand.u32 $0x7, v3;
	v4 =	vand.u32 $0xFFFFFFC0, v4  }
0x2e: {  	v3 =	vor.u32 v3, v4  }
0x2f: {  	v4 =	vperm.xlane v3, v0;
	_ =	sdelay $0x1  }
0x30: {  	v4 =	vadd.s32 v1, v4;
	_ =	sdelay $0x4  }
0x31: {  	[tilespmem:s9], [sflag:$0x1] =	stream.indirect_vreg.gather [hbm4b:s2+s3], $0x80, v4, vm0, $0xb8;
	[tilespmem:$0x18080] =	vst v63  }
0x32: {  	s0 =	rddreg [dreg:$0x5];
	v3 =	vperm.xlane v3, v2  }
0x33: {  	[tilespmem:s0], [sflag:$0x1] =	stream.indirect_vreg.gather [hbm4b:s4+s3], $0x80, v4, vm0, $0xb8;
	[tilespmem:$0x18080] =	vst v63  }
0x34: {  	s10 =	rddreg [dreg:$0x6];
	v3 =	vadd.s32 v1, v3  }
0x35: {  	[tilespmem:s10], [sflag:$0x1] =	stream.indirect_vreg.gather [hbm4b:s5+s3], $0x80, v4, vm0, $0xb8;
	[tilespmem:$0x18080] =	vst v63  }
0x36: {  	s0 =	rddreg [dreg:$0x7]  }
0x37: {  	[tilespmem:s0], [sflag:$0x1] =	stream.indirect_vreg.gather [hbm4b:s6+s3], $0x80, v4, vm0, $0xb8;
	[tilespmem:$0x18080] =	vst v63  }
0x38: {  	s10 =	rddreg [dreg:$0x8]  }
0x39: {  	[tilespmem:s10], [sflag:$0x1] =	stream.indirect_vreg.gather [hbm4b:s2+s3], $0x80, v3, vm0, $0xb8;
	[tilespmem:$0x18080] =	vst v63  }
0x3a: {  	s0 =	rddreg [dreg:$0x9]  }
0x3b: {  	[tilespmem:s0], [sflag:$0x1] =	stream.indirect_vreg.gather [hbm4b:s4+s3], $0x80, v3, vm0, $0xb8;
	[tilespmem:$0x18080] =	vst v63  }
0x3c: {  	s10 =	rddreg [dreg:$0xa]  }
0x3d: {  	[tilespmem:s10], [sflag:$0x1] =	stream.indirect_vreg.gather [hbm4b:s5+s3], $0x80, v3, vm0, $0xb8;
	[tilespmem:$0x18080] =	vst v63  }
0x3e: {  	s0 =	rddreg [dreg:$0xb]  }
0x3f: {  	[tilespmem:s0], [sflag:$0x1] =	stream.indirect_vreg.gather [hbm4b:s6+s3], $0x80, v3, vm0, $0xb8;
	[tilespmem:$0x18080] =	vst v63  }
0x40: {  	v3 =	vld [tilespmem:$0x10];
	_ =	sdelay $0x4  }
0x41: {  	v59 =	vshll.u32 v3, $0x3  }
0x42: {  	v3 =	vand.u32 $0x7, v3;
	v4 =	vand.u32 $0xFFFFFFC0, v59  }
0x43: {  	v3 =	vor.u32 v3, v4  }
0x44: {  	v4 =	vperm.xlane v3, v0;
	_ =	sdelay $0x1  }
0x45: {  	v4 =	vadd.s32 v1, v4;
	_ =	sdelay $0x3  }
0x46: {  	s0 =	rddreg [dreg:$0xc]  }
0x47: {  	[tilespmem:s0], [sflag:$0x1] =	stream.indirect_vreg.gather [hbm4b:s2+s3], $0x80, v4, vm0, $0xb8;
	[tilespmem:$0x18080] =	vst v63  }
0x48: {  	s10 =	rddreg [dreg:$0xd];
	v3 =	vperm.xlane v3, v2  }
0x49: {  	[tilespmem:s10], [sflag:$0x1] =	stream.indirect_vreg.gather [hbm4b:s4+s3], $0x80, v4, vm0, $0xb8;
	[tilespmem:$0x18080] =	vst v63  }
0x4a: {  	v3 =	vadd.s32 v1, v3;
	s0 =	rddreg [dreg:$0xe]  }
0x4b: {  	[tilespmem:s0], [sflag:$0x1] =	stream.indirect_vreg.gather [hbm4b:s5+s3], $0x80, v4, vm0, $0xb8;
	[tilespmem:$0x18080] =	vst v63  }
0x4c: {  	s10 =	rddreg [dreg:$0xf]  }
0x4d: {  	[tilespmem:s10], [sflag:$0x1] =	stream.indirect_vreg.gather [hbm4b:s6+s3], $0x80, v4, vm0, $0xb8;
	[tilespmem:$0x18080] =	vst v63  }
0x4e: {  	s0 =	rddreg [dreg:$0x10]  }
0x4f: {  	[tilespmem:s0], [sflag:$0x1] =	stream.indirect_vreg.gather [hbm4b:s2+s3], $0x80, v3, vm0, $0xb8;
	[tilespmem:$0x18080] =	vst v63  }
0x50: {  	s10 =	rddreg [dreg:$0x11]  }
0x51: {  	[tilespmem:s10], [sflag:$0x1] =	stream.indirect_vreg.gather [hbm4b:s4+s3], $0x80, v3, vm0, $0xb8;
	[tilespmem:$0x18080] =	vst v63  }
0x52: {  	s0 =	rddreg [dreg:$0x12]  }
0x53: {  	[tilespmem:s0], [sflag:$0x1] =	stream.indirect_vreg.gather [hbm4b:s5+s3], $0x80, v3, vm0, $0xb8;
	[tilespmem:$0x18080] =	vst v63  }
0x54: {  	s10 =	rddreg [dreg:$0x13]  }
0x55: {  	[tilespmem:s10], [sflag:$0x1] =	stream.indirect_vreg.gather [hbm4b:s6+s3], $0x80, v3, vm0, $0xb8;
	[tilespmem:$0x18080] =	vst v63  }
0x56: {  	v3 =	vld [tilespmem:$0x20];
	_ =	sdelay $0x4  }
0x57: {  	v60 =	vshll.u32 v3, $0x3  }
0x58: {  	v3 =	vand.u32 $0x7, v3;
	v4 =	vand.u32 $0xFFFFFFC0, v60  }
0x59: {  	v3 =	vor.u32 v3, v4  }
0x5a: {  	v4 =	vperm.xlane v3, v0;
	_ =	sdelay $0x1  }
0x5b: {  	v4 =	vadd.s32 v1, v4;
	_ =	sdelay $0x3  }
0x5c: {  	s0 =	rddreg [dreg:$0x14]  }
0x5d: {  	[tilespmem:s0], [sflag:$0x1] =	stream.indirect_vreg.gather [hbm4b:s2+s3], $0x80, v4, vm0, $0xb8;
	[tilespmem:$0x18080] =	vst v63  }
0x5e: {  	s10 =	rddreg [dreg:$0x15];
	v3 =	vperm.xlane v3, v2  }
0x5f: {  	[tilespmem:s10], [sflag:$0x1] =	stream.indirect_vreg.gather [hbm4b:s4+s3], $0x80, v4, vm0, $0xb8;
	[tilespmem:$0x18080] =	vst v63  }
0x60: {  	v3 =	vadd.s32 v1, v3;
	s0 =	rddreg [dreg:$0x16]  }
0x61: {  	[tilespmem:s0], [sflag:$0x1] =	stream.indirect_vreg.gather [hbm4b:s5+s3], $0x80, v4, vm0, $0xb8;
	[tilespmem:$0x18080] =	vst v63  }
0x62: {  	s10 =	rddreg [dreg:$0x17]  }
0x63: {  	[tilespmem:s10], [sflag:$0x1] =	stream.indirect_vreg.gather [hbm4b:s6+s3], $0x80, v4, vm0, $0xb8;
	[tilespmem:$0x18080] =	vst v63  }
0x64: {  	s0 =	rddreg [dreg:$0x18]  }
0x65: {  	[tilespmem:s0], [sflag:$0x1] =	stream.indirect_vreg.gather [hbm4b:s2+s3], $0x80, v3, vm0, $0xb8;
	[tilespmem:$0x18080] =	vst v63  }
0x66: {  	s10 =	rddreg [dreg:$0x19]  }
0x67: {  	[tilespmem:s10], [sflag:$0x1] =	stream.indirect_vreg.gather [hbm4b:s4+s3], $0x80, v3, vm0, $0xb8;
	[tilespmem:$0x18080] =	vst v63  }
0x68: {  	s0 =	rddreg [dreg:$0x1a]  }
0x69: {  	[tilespmem:s0], [sflag:$0x1] =	stream.indirect_vreg.gather [hbm4b:s5+s3], $0x80, v3, vm0, $0xb8;
	[tilespmem:$0x18080] =	vst v63  }
0x6a: {  	s10 =	rddreg [dreg:$0x1b]  }
0x6b: {  	[tilespmem:s10], [sflag:$0x1] =	stream.indirect_vreg.gather [hbm4b:s6+s3], $0x80, v3, vm0, $0xb8;
	[tilespmem:$0x18080] =	vst v63  }
0x6c: {  	v3 =	vld [tilespmem:$0x30];
	_ =	sdelay $0x4  }
0x6d: {  	v61 =	vshll.u32 v3, $0x3  }
0x6e: {  	v3 =	vand.u32 $0x7, v3;
	v4 =	vand.u32 $0xFFFFFFC0, v61  }
0x6f: {  	v3 =	vor.u32 v3, v4  }
0x70: {  	v4 =	vperm.xlane v3, v0;
	_ =	sdelay $0x1  }
0x71: {  	v4 =	vadd.s32 v1, v4;
	_ =	sdelay $0x3  }
0x72: {  	s0 =	rddreg [dreg:$0x1c]  }
0x73: {  	[tilespmem:s0], [sflag:$0x1] =	stream.indirect_vreg.gather [hbm4b:s2+s3], $0x80, v4, vm0, $0xb8;
	[tilespmem:$0x18080] =	vst v63  }
0x74: {  	s10 =	rddreg [dreg:$0x1d];
	v3 =	vperm.xlane v3, v2  }
0x75: {  	[tilespmem:s10], [sflag:$0x1] =	stream.indirect_vreg.gather [hbm4b:s4+s3], $0x80, v4, vm0, $0xb8;
	[tilespmem:$0x18080] =	vst v63  }
0x76: {  	v3 =	vadd.s32 v1, v3;
	s0 =	rddreg [dreg:$0x1e]  }
0x77: {  	[tilespmem:s0], [sflag:$0x1] =	stream.indirect_vreg.gather [hbm4b:s5+s3], $0x80, v4, vm0, $0xb8;
	[tilespmem:$0x18080] =	vst v63  }
0x78: {  	s10 =	simm.s32 $0xD880  }
0x79: {  	[tilespmem:s10], [sflag:$0x1] =	stream.indirect_vreg.gather [hbm4b:s6+s3], $0x80, v4, vm0, $0xb8;
	[tilespmem:$0x18080] =	vst v63  }
0x7a: {  	_ = 	snop  }
0x7b: {  	[tilespmem:s11], [sflag:$0x1] =	stream.indirect_vreg.gather [hbm4b:s2+s3], $0x80, v3, vm0, $0xb8;
	[tilespmem:$0x18080] =	vst v63  }
0x7c: {  	_ = 	snop  }
0x7d: {  	[tilespmem:s12], [sflag:$0x1] =	stream.indirect_vreg.gather [hbm4b:s4+s3], $0x80, v3, vm0, $0xb8;
	[tilespmem:$0x18080] =	vst v63  }
0x7e: {  	_ = 	snop  }
0x7f: {  	[tilespmem:s13], [sflag:$0x1] =	stream.indirect_vreg.gather [hbm4b:s5+s3], $0x80, v3, vm0, $0xb8;
	[tilespmem:$0x18080] =	vst v63  }
0x80: {  	_ = 	snop  }
0x81: {  	[tilespmem:s14], [sflag:$0x1] =	stream.indirect_vreg.gather [hbm4b:s6+s3], $0x80, v3, vm0, $0xb8;
	[tilespmem:$0x18080] =	vst v63  }
0x82: {  	v3 =	vld [tilespmem:$0x40];
	_ =	sdelay $0x4  }
0x83: {  	v62 =	vshll.u32 v3, $0x3  }
0x84: {  	v3 =	vand.u32 $0x7, v3;
	v4 =	vand.u32 $0xFFFFFFC0, v62  }
0x85: {  	v3 =	vor.u32 v3, v4  }
0x86: {  	v4 =	vperm.xlane v3, v0;
	_ =	sdelay $0x1  }
0x87: {  	v4 =	vadd.s32 v1, v4;
	_ =	sdelay $0x4  }
0x88: {  	[tilespmem:s15], [sflag:$0x1] =	stream.indirect_vreg.gather [hbm4b:s2+s3], $0x80, v4, vm0, $0xb8;
	[tilespmem:$0x18080] =	vst v63  }
0x89: {  	v3 =	vperm.xlane v3, v2  }
0x8a: {  	[tilespmem:s16], [sflag:$0x1] =	stream.indirect_vreg.gather [hbm4b:s4+s3], $0x80, v4, vm0, $0xb8;
	[tilespmem:$0x18080] =	vst v63  }
0x8b: {  	v3 =	vadd.s32 v1, v3  }
0x8c: {  	[tilespmem:s17], [sflag:$0x1] =	stream.indirect_vreg.gather [hbm4b:s5+s3], $0x80, v4, vm0, $0xb8;
	[tilespmem:$0x18080] =	vst v63  }
0x8d: {  	_ = 	snop  }
0x8e: {  	[tilespmem:s18], [sflag:$0x1] =	stream.indirect_vreg.gather [hbm4b:s6+s3], $0x80, v4, vm0, $0xb8;
	[tilespmem:$0x18080] =	vst v63  }
0x8f: {  	_ = 	snop  }
0x90: {  	[tilespmem:s19], [sflag:$0x1] =	stream.indirect_vreg.gather [hbm4b:s2+s3], $0x80, v3, vm0, $0xb8;
	[tilespmem:$0x18080] =	vst v63  }
0x91: {  	_ = 	snop  }
0x92: {  	[tilespmem:s20], [sflag:$0x1] =	stream.indirect_vreg.gather [hbm4b:s4+s3], $0x80, v3, vm0, $0xb8;
	[tilespmem:$0x18080] =	vst v63  }
0x93: {  	_ = 	snop  }
0x94: {  	[tilespmem:s21], [sflag:$0x1] =	stream.indirect_vreg.gather [hbm4b:s5+s3], $0x80, v3, vm0, $0xb8;
	[tilespmem:$0x18080] =	vst v63  }
0x95: {  	_ = 	snop  }
0x96: {  	[tilespmem:s22], [sflag:$0x1] =	stream.indirect_vreg.gather [hbm4b:s6+s3], $0x80, v3, vm0, $0xb8;
	[tilespmem:$0x18080] =	vst v63  }
0x97: {  	v3 =	vld [tilespmem:$0x50];
	_ =	sdelay $0x4  }
0x98: {  	v63 =	vshll.u32 v3, $0x3  }
0x99: {  	v3 =	vand.u32 $0x7, v3;
	v4 =	vand.u32 $0xFFFFFFC0, v63  }
0x9a: {  	v3 =	vor.u32 v3, v4  }
0x9b: {  	v4 =	vperm.xlane v3, v0;
	_ =	sdelay $0x1  }
0x9c: {  	v4 =	vadd.s32 v1, v4;
	_ =	sdelay $0x4  }
0x9d: {  	[tilespmem:s23], [sflag:$0x1] =	stream.indirect_vreg.gather [hbm4b:s2+s3], $0x80, v4, vm0, $0xb8;
	[tilespmem:$0x18080] =	vst v63  }
0x9e: {  	v3 =	vperm.xlane v3, v2  }
0x9f: {  	[tilespmem:s24], [sflag:$0x1] =	stream.indirect_vreg.gather [hbm4b:s4+s3], $0x80, v4, vm0, $0xb8;
	[tilespmem:$0x18080] =	vst v63  }
0xa0: {  	v3 =	vadd.s32 v1, v3  }
0xa1: {  	[tilespmem:s25], [sflag:$0x1] =	stream.indirect_vreg.gather [hbm4b:s5+s3], $0x80, v4, vm0, $0xb8;
	[tilespmem:$0x18080] =	vst v63  }
0xa2: {  	_ = 	snop  }
0xa3: {  	[tilespmem:s26], [sflag:$0x1] =	stream.indirect_vreg.gather [hbm4b:s6+s3], $0x80, v4, vm0, $0xb8;
	[tilespmem:$0x18080] =	vst v63  }
0xa4: {  	_ = 	snop  }
0xa5: {  	[tilespmem:s28], [sflag:$0x1] =	stream.indirect_vreg.gather [hbm4b:s2+s3], $0x80, v3, vm0, $0xb8;
	[tilespmem:$0x18080] =	vst v63  }
0xa6: {  	_ = 	snop  }
0xa7: {  	[tilespmem:s29], [sflag:$0x1] =	stream.indirect_vreg.gather [hbm4b:s4+s3], $0x80, v3, vm0, $0xb8;
	[tilespmem:$0x18080] =	vst v63  }
0xa8: {  	_ = 	snop  }
0xa9: {  	[tilespmem:s30], [sflag:$0x1] =	stream.indirect_vreg.gather [hbm4b:s5+s3], $0x80, v3, vm0, $0xb8;
	[tilespmem:$0x18080] =	vst v63  }
0xaa: {  	_ = 	snop  }
0xab: {  	[tilespmem:s31], [sflag:$0x1] =	stream.indirect_vreg.gather [hbm4b:s6+s3], $0x80, v3, vm0, $0xb8;
	[tilespmem:$0x18080] =	vst v63  }
0xac: {  	_ =	swait.ge [sflag:s1], $0x18000  }
0xad: {  	p0 =	sne.s32 s7, $0x1;
	[sflag:s1] =	ssyncset.done $0x0  }
.Ltmp0:
0xae: {  	s10 =	rddreg [dreg:$0x4];
	[sflag:s1] =	ssyncadd.s32 $0xFFFE8000;
	(pc) =	sbr.rel @p0 .LBB2_1-.Ltmp0, $4  }
0xaf: {  	[hbm4b:s10+s3] =	stream.linear.scatter [tilespmem:s9], [sflag:$0x2], $0x18000, $0x38;
	[tilespmem:$0x18080] =	vst v63  }
0xb0: {  	_ =	swait.ge [sflag:s8], $0x18000  }
0xb1: {  	[sflag:s8] =	ssyncset.done $0x0  }
0xb2: {  	s7 =	sadd.s32 $0xFFFFFFFF, s7;
	[sflag:s8] =	ssyncadd.s32 $0xFFFE8000  }
0xb3: {  	_ =	sfence.sel $0x180000  }
0xb4: {  	[bflag:$0x0] =	sbarrier.arrive $0xFFFF  }
0xb5: {  	_ =	strace $0x9000004D  }
0xb6: {  	s0 =	stileid.u32;
	[bflag:$0x2] =	sbarrier.arrive $0xFFFF  }
0xb7: {  	p0 =	sne.s32 s0, $0x0;
	s0 =	rddreg [dreg:$0x2]  }
0xb8: {  	s0 =	sadd.s32 @!p0 $0x100000, s0  }
0xb9: {  	[sflag:s0] =	ssyncadd.tile.s32 @!p0 $0x1;
	_ =	shalt  }
.Lfunc_end2:
_tile_overlayer_lowered:
.L_overlay_start_2:
0xba: {  	(tag) =	ssettag $0x2  }
0xbb: {  	s0 =	rddreg [dreg:$0x0];
	s2 =	stileid.u32  }
0xbc: {  	s1 =	rddreg [dreg:$0x1];
	p0 =	sne.s32 s2, $0x0  }
0xbd: {  	s3 =	rddreg [dreg:$0x2];
	[bflag:$0x3] =	sbarrier.arrive $0xFFFF;
	s2 =	simm.s32 @!p0 $0x1C02  }
0xbe: {  	[timem:s3], [sflag:s2] =	dma.local @!p0 [hbm:s0], s1  }
0xbf: {  	s0 =	simm.s32 @!p0 $0x2  }
0xc0: {  	_ =	swait.ge @!p0 [sflag:s0], s1  }
0xc1: {  	s1 =	ssub.s32 @!p0 $0x0, s1;
	[sflag:s0] =	ssyncset.done @!p0 $0x0  }
0xc2: {  	[sflag:s0] =	ssyncadd.s32 @!p0 s1  }
0xc3: {  	[bflag:$0x3] =	sbarrier.arrive $0xFFFF  }
0xc4: {  	_ =	shalt  }

// kernel: kernel.14.cloned.1.call-start
scs
__scs_entry_jumppad:
0x0: {  	(pc) =	sbr.rel $0x88, $3  }
0x1: {  	(tag) =	ssettag $0x0;
	lr =	simm.s32 $0x1  }
0x2: {  	[smem:$0x3F9C] =	sst lr;
	_ =	strace $0xD0000000  }
0x3: {  	_ = 	snop  }
0x4: {  	_ = 	snop  }
0x5: {  	_ = 	snop  }
0x6: {  	_ = 	snop  }
0x7: {  	_ = 	snop  }
__scs_overlays_trampoline_lowered:
0x8: {  	[smem:$0x3FAB] =	sst s0  }
0x9: {  	[smem:$0x3FAC] =	sst s1  }
0xa: {  	[smem:$0x3FAD] =	sst s2  }
0xb: {  	[smem:$0x3FAE] =	sst s3  }
0xc: {  	[smem:$0x3FAF] =	sst s4  }
0xd: {  	[smem:$0x3FB0] =	sst s5  }
0xe: {  	[smem:$0x3FB1] =	sst s6  }
0xf: {  	[smem:$0x3FB2] =	sst s7  }
0x10: {  	[smem:$0x3FB3] =	sst s8  }
0x11: {  	[smem:$0x3FB4] =	sst s9;
	s0 =	simm.s32 @!p0 $0x0  }
0x12: {  	s1 =	sld [smem:$0x3F9A];
	s0 =	simm.s32 @p0 $0x1  }
0x13: {  	[smem:$0x3FB5] =	sst s0;
	s0 =	simm.s32 @!p1 $0x0  }
0x14: {  	s2 =	sld [smem:$0x3F99];
	s0 =	simm.s32 @p1 $0x1  }
0x15: {  	[smem:$0x3FB6] =	sst s0;
	s0 =	simm.s32 @!p2 $0x0  }
0x16: {  	s3 =	sld [smem:$0x3FDB];
	s0 =	simm.s32 @p2 $0x1  }
0x17: {  	s4 =	simm.s32 $0x1BF5;
	[smem:$0x3FB8] =	sst s0  }
0x18: {  	s0 =	sld [smem:$0x3F9B];
	_ =	swait.ge [sflag:s4], $0x0  }
0x19: {  	s7 =	sld [smem:$0x3F9C]  }
0x1a: {  	s8 =	sadd.s32 $0xFFFFE003, lr  }
0x1b: {  	s9 =	sadd.s32 $0xFFFFFEF7, lr;
	s5 =	simm.s32 $0xFFFFFFFF;
	p2 =	slt.u32 s8, $0xFFFFF086  }
0x1c: {  	p1 =	slt.u32 s9, $0xF7A;
	s5 =	simm.s32 @!p2 $0x0  }
0x1d: {  	s5 =	simm.s32 @p1 $0x1;
	p0 =	seq.s32 s7, s2  }
0x1e: {  	s7 =	smul.u32 @!p0 $0xF7A, s2;
	p2 =	seq.s32 @!p0 s5, $0x0  }
0x1f: {  	s9 =	smul.u32 $0xF7A, s1;
	s8 =	simm.s32 @!p0 $0x1BF5;
	p2 =	por !p2, p0  }
0x20: {  	[sflag:s8] =	ssyncset.s32 @!p0 $0xFFFFF086;
	s6 =	sadd.s32 @!p0 s3, s7;
	s7 =	simm.s32 @!p0 $0x108  }
0x21: {  	s3 =	sadd.s32 s3, s9;
	s6 =	sadd.s32 @!p0 $0x88, s6;
	s7 =	simm.s32 @p2 $0x1082  }
0x22: {  	[simem:s7], [sflag:s8] =	dma.local @!p0 [hbm:s6], $0xF7A  }
0x23: {  	s9 =	sor.u32 $0xD0000000, s2;
	s6 =	simm.s32 $0x108;
	_ =	swait.ge @!p0 [sflag:s8], $0x0  }
0x24: {  	s3 =	sadd.s32 $0x88, s3;
	s6 =	simm.s32 @!p1 $0x1082;
	[sflag:s4] =	ssyncset.s32 $0xFFFFF086  }
0x25: {  	[simem:s6], [sflag:s4] =	dma.local [hbm:s3], $0xF7A  }
0x26: {  	[smem:$0x3F9C] =	sst s1;
	(tag) =	ssettag s2;
	_ =	strace s9  }
0x27: {  	s1 =	sld [smem:$0x3FAC]  }
0x28: {  	s2 =	sld [smem:$0x3FAD]  }
0x29: {  	s4 =	sld [smem:$0x3FAF]  }
0x2a: {  	p0 =	seq.s32 s5, $0x0;
	s5 =	sld [smem:$0x3FB0]  }
0x2b: {  	s6 =	sld [smem:$0x3FB1]  }
0x2c: {  	s7 =	sld [smem:$0x3FB2]  }
0x2d: {  	s3 =	simm.s32 $0x108;
	s8 =	sld [smem:$0x3FB3]  }
0x2e: {  	s3 =	simm.s32 @!p0 $0x1082;
	s9 =	sld [smem:$0x3FB4]  }
0x2f: {  	lr =	sadd.s32 s0, s3;
	s0 =	sld [smem:$0x3FAB]  }
0x30: {  	s3 =	sld [smem:$0x3FAE]  }
0x31: {  	[smem:$0x3FB7] =	sst s10  }
0x32: {  	s10 =	sld [smem:$0x3FB5];
	_ =	sdelay $0x3  }
0x33: {  	p0 =	seq.s32 s10, $0x1;
	s10 =	sld [smem:$0x3FB7];
	_ =	sdelay $0x3  }
0x34: {  	[smem:$0x3FB7] =	sst s10  }
0x35: {  	s10 =	sld [smem:$0x3FB6];
	_ =	sdelay $0x3  }
0x36: {  	p1 =	seq.s32 s10, $0x1;
	s10 =	sld [smem:$0x3FB7];
	_ =	sdelay $0x3  }
0x37: {  	[smem:$0x3FB7] =	sst s10  }
0x38: {  	s10 =	sld [smem:$0x3FB8]  }
0x39: {  	_ = 	snop;
	(pc) =	sbr.ind lr, $3  }
0x3a: {  	_ = 	snop  }
0x3b: {  	_ = 	snop  }
0x3c: {  	p2 =	seq.s32 s10, $0x1;
	s10 =	sld [smem:$0x3FB7]  }
0x3d: {  	_ =	shalt  }
0x3e: {  	_ =	shalt  }
0x3f: {  	_ =	shalt  }
0x40: {  	_ =	shalt  }
0x41: {  	_ =	shalt  }
0x42: {  	_ =	shalt  }
0x43: {  	_ =	shalt  }
0x44: {  	_ =	shalt  }
0x45: {  	_ =	shalt  }
0x46: {  	_ =	shalt  }
0x47: {  	_ =	shalt  }
0x48: {  	_ =	shalt  }
0x49: {  	_ =	shalt  }
0x4a: {  	_ =	shalt  }
0x4b: {  	_ =	shalt  }
0x4c: {  	_ =	shalt  }
0x4d: {  	_ =	shalt  }
0x4e: {  	_ =	shalt  }
0x4f: {  	_ =	shalt  }
0x50: {  	_ =	shalt  }
0x51: {  	_ =	shalt  }
0x52: {  	_ =	shalt  }
0x53: {  	_ =	shalt  }
0x54: {  	_ =	shalt  }
0x55: {  	_ =	shalt  }
0x56: {  	_ =	shalt  }
0x57: {  	_ =	shalt  }
0x58: {  	_ =	shalt  }
0x59: {  	_ =	shalt  }
0x5a: {  	_ =	shalt  }
0x5b: {  	_ =	shalt  }
0x5c: {  	_ =	shalt  }
0x5d: {  	_ =	shalt  }
0x5e: {  	_ =	shalt  }
0x5f: {  	_ =	shalt  }
0x60: {  	_ =	shalt  }
0x61: {  	_ =	shalt  }
0x62: {  	_ =	shalt  }
0x63: {  	_ =	shalt  }
0x64: {  	_ =	shalt  }
0x65: {  	_ =	shalt  }
0x66: {  	_ =	shalt  }
0x67: {  	_ =	shalt  }
0x68: {  	_ =	shalt  }
0x69: {  	_ =	shalt  }
0x6a: {  	_ =	shalt  }
0x6b: {  	_ =	shalt  }
0x6c: {  	_ =	shalt  }
0x6d: {  	_ =	shalt  }
0x6e: {  	_ =	shalt  }
0x6f: {  	_ =	shalt  }
0x70: {  	_ =	shalt  }
0x71: {  	_ =	shalt  }
0x72: {  	_ =	shalt  }
0x73: {  	_ =	shalt  }
0x74: {  	_ =	shalt  }
0x75: {  	_ =	shalt  }
0x76: {  	_ =	shalt  }
0x77: {  	_ =	shalt  }
0x78: {  	_ =	shalt  }
0x79: {  	_ =	shalt  }
0x7a: {  	_ =	shalt  }
0x7b: {  	_ =	shalt  }
0x7c: {  	_ =	shalt  }
0x7d: {  	_ =	shalt  }
0x7e: {  	_ =	shalt  }
0x7f: {  	_ =	shalt  }
0x80: {  	_ =	shalt  }
0x81: {  	_ =	shalt  }
0x82: {  	_ =	shalt  }
0x83: {  	_ =	shalt  }
0x84: {  	_ =	shalt  }
0x85: {  	_ =	shalt  }
0x86: {  	_ =	shalt  }
0x87: {  	_ =	shalt  }
.Lfunc_end0:
.L_simem_size_0:
called_computation.2_lowered:
.L_overlay_start_0:
0x88: {  	s2 =	sld [smem:$0x3FD9]  }
0x89: {  	s3 =	sld [smem:$0x3FFE];
	_ =	sdelay $0x1  }
0x8a: {  	s1 =	srdreg.scid  }
0x8b: {  	s0 =	sand.u32 $0x1, s1  }
0x8c: {  	s17 =	sshll.u32 s0, $0xA;
	s2 =	sadd.s32 s3, s2  }
0x8d: {  	s2 =	sadd.s32 s2, s17  }
0x8e: {  	[smem:$0x3FC3] =	sst s2  }
0x8f: {  	_ = 	snop  }
0x90: {  	s2 =	sld [smem:$0x3FC9];
	(tm) =	ssettm $0x1  }
0x91: {  	s18 =	sld [smem:$0x3FFB];
	_ =	sdelay $0x3  }
0x92: {  	_ =	strace s18  }
0x93: {  	s3 =	sld [smem:$0x3FFC];
	_ =	sdelay $0x3  }
0x94: {  	_ =	strace s3  }
0x95: {  	s3 =	sld [smem:$0x3FFD];
	_ =	sdelay $0x3  }
0x96: {  	_ =	strace s3  }
0x97: {  	_ =	strace $0x8FFFFFFF  }
0x98: {  	s19 =	sld [smem:$0x3FDB];
	_ =	sdelay $0x1  }
0x99: {  	s4 =	simm.s32 $_scs_section_size  }
0x9a: {  	s5 =	simm.s32 $_size__tile_overlayer_lowered;
	s6 =	simm.s32 $_tile_overlayer_lowered  }
0x9b: {  	s22 =	simm.s32 $0x1BFF;
	s21 =	sshll.u32 s6, $0x1;
	s3 =	sadd.s32 s4, s19  }
0x9c: {  	s7 =	simm.s32 $0x0;
	s20 =	sshll.u32 s5, $0x1;
	s5 =	sadd.s32 s21, s3  }
0x9d: {  	[timem:s7], [sflag:s22] =	dma.local [hbm:s5], s20  }
0x9e: {  	_ =	swait.ge [sflag:s22], s20  }
0x9f: {  	s4 =	ssub.s32 $0x0, s20;
	[sflag:s22] =	ssyncset.done $0x0  }
0xa0: {  	[sflag:s22] =	ssyncadd.s32 s4;
	_ =	sdelay $0x1  }
0xa1: {  	s23 =	simm.s32 $0x1B8B  }
0xa2: {  	_ =	swait.ge [sflag:s23], $0x1  }
0xa3: {  	[sflag:s23] =	ssyncset.done $0x0  }
0xa4: {  	s25 =	simm.s32 $0x1B8E;
	s24 =	sld [smem:$0x3FFE];
	[sflag:s23] =	ssyncadd.s32 $0xFFFFFFFF  }
0xa5: {  	s26 =	simm.s32 $execute0_lowered;
	[smem:$0x3FD2] =	sst s25  }
0xa6: {  	s5 =	sshll.u32 s26, $0x1;
	_ =	strace $0x80000049;
	[dreg:$0x1] =	wrdreg $0xFFFFFFFF  }
0xa7: {  	s28 =	simm.s32 $_size_execute0_lowered;
	s3 =	sadd.s32 s3, s5;
	[dreg:$0x0] =	wrdreg $0x0  }
0xa8: {  	s5 =	sshll.u32 s28, $0x1;
	[dreg:$0x2] =	wrdreg s3  }
0xa9: {  	[dreg:$0x3] =	wrdreg s5  }
0xaa: {  	[dreg:$0x4] =	wrdreg $0xC0  }
0xab: {  	_ =	task [dreg:s7], $0x5FFFF  }
0xac: {  	[dreg:$0x1] =	wrdreg $0xFFFFFFFF  }
0xad: {  	[dreg:$0x0] =	wrdreg $0x60  }
0xae: {  	[dreg:$0x2] =	wrdreg s2  }
0xaf: {  	[dreg:$0x3] =	wrdreg s24  }
0xb0: {  	[dreg:$0x4] =	wrdreg $0xA  }
0xb1: {  	_ =	task.clear_ibuf [dreg:s7], $0x5FFFF;
	_ =	strace $0x90000049  }
0xb2: {  	s29 =	simm.s32 $0xA;
	_ =	strace $0x8000004B  }
0xb3: {  	_ =	swait.ge [sflag:s29], $0x1  }
0xb4: {  	[sflag:s29] =	ssyncadd.s32 $0xFFFFFFFF  }
0xb5: {  	_ =	strace $0x9000004B  }
0xb6: {  	_ =	sfence  }
0xb7: {  	s30 =	sld [smem:$0x0];
	_ =	sdelay $0x2  }
0xb8: {  	s31 =	sshll.u32 s1, $0xD;
	s1 =	sshrl.u32 s1, $0x2  }
0xb9: {  	s3 =	sand.u32 $0x4000, s31;
	s1 =	sadd.s32 s1, s30  }
0xba: {  	s0 =	sor.u32 s3, s0;
	s1 =	sshll.u32 s1, $0x11  }
0xbb: {  	s0 =	sor.u32 s1, s0  }
0xbc: {  	s0 =	sadd.s32 $0x8F2B, s0  }
0xbd: {  	[sflag:s0] =	ssyncadd.remote.s32 $0x1  }
0xbe: {  	_ =	sfence.sel $0xFFFF  }
0xbf: {  	[dreg:$0x0] =	wrdreg $0xFFFFFFFF;
	(pc) =	sbr.abs _section_cstart, $3  }
0xc0: {  	[dreg:$0x1] =	wrdreg $0xFFFFFFFF  }
0xc1: {  	_ =	task.clear_ibuf [dreg:s7], $0x2FFFF;
	_ =	strace $0x9FFFFFFF  }
0xc2: {  	(tm) =	ssettm $0x7FFFFFFF  }
0xc3: {  	_ =	shalt  }
tec
execute0_lowered:
.L_overlay_start_1:
0x0: {  	(tag) =	ssettag $0x1  }
0x1: {  	s1 =	srdreg.scid;
	s0 =	stileid.u32  }
0x2: {  	s2 =	rddreg [dreg:$0x0];
	s1 =	sand.u32 $0x1, s1;
	s3 =	sshll.u32 s0, $0x1  }
0x3: {  	s5 =	rddreg [dreg:$0x1];
	s4 =	sor.u32 s1, s3;
	s3 =	simm.s32 $0x0  }
0x4: {  	s25 =	simm.s32 $0x880;
	[smem:$0x7FF] =	sst s3  }
0x5: {  	s26 =	simm.s32 $0x1080;
	_ =	strace $0x8000004A;
	[dreg:$0x5] =	wrdreg s25  }
0x6: {  	s0 =	simm.s32 $0x1880;
	[dreg:$0x6] =	wrdreg s26  }
0x7: {  	s7 =	simm.s32 $0x3080;
	[dreg:$0x7] =	wrdreg s0  }
0x8: {  	s8 =	simm.s32 $0x3880;
	[dreg:$0xa] =	wrdreg s7  }
0x9: {  	s9 =	simm.s32 $0x4080;
	[dreg:$0xb] =	wrdreg s8  }
0xa: {  	s10 =	simm.s32 $0x4880;
	[dreg:$0xc] =	wrdreg s9  }
0xb: {  	s11 =	simm.s32 $0x5080;
	[dreg:$0xd] =	wrdreg s10  }
0xc: {  	s12 =	simm.s32 $0x5880;
	[dreg:$0xe] =	wrdreg s11  }
0xd: {  	s13 =	simm.s32 $0x6080;
	[dreg:$0xf] =	wrdreg s12  }
0xe: {  	s14 =	simm.s32 $0x6880;
	s15 =	simm.s32 $0x7080;
	[dreg:$0x10] =	wrdreg s13  }
0xf: {  	s16 =	simm.s32 $0x7880;
	s17 =	simm.s32 $0x8080;
	[dreg:$0x11] =	wrdreg s14  }
0x10: {  	s18 =	simm.s32 $0x8880;
	s19 =	simm.s32 $0x9080;
	[dreg:$0x12] =	wrdreg s15  }
0x11: {  	s20 =	simm.s32 $0x9880;
	s22 =	simm.s32 $0xA080;
	[dreg:$0x13] =	wrdreg s16  }
0x12: {  	s23 =	simm.s32 $0xA880;
	s28 =	simm.s32 $0x16080;
	[dreg:$0x14] =	wrdreg s17  }
0x13: {  	s29 =	simm.s32 $0x16880;
	s30 =	simm.s32 $0x17080;
	[dreg:$0x15] =	wrdreg s18  }
0x14: {  	s31 =	simm.s32 $0x17880;
	s1 =	ssub.s32 $0x2, s1;
	[dreg:$0x16] =	wrdreg s19  }
0x15: {  	s6 =	smul.u32 $0x60, s4;
	s21 =	sshrl.u32 s1, $0x1;
	[dreg:$0x17] =	wrdreg s20  }
0x16: {  	s4 =	smul.u32 $0x3000, s4;
	s1 =	ssub.s32 s1, s21;
	[dreg:$0x18] =	wrdreg s22  }
0x17: {  	[dreg:$0x19] =	wrdreg s23;
	s7 =	simm.s32 $0xB880;
	s8 =	simm.s32 $0xC080  }
0x18: {  	s25 =	simm.s32 $0xC880;
	s26 =	simm.s32 $0xD080;
	s9 =	simm.s32 $0x80  }
0x19: {  	s11 =	simm.s32 $0xE080;
	s12 =	simm.s32 $0xE880;
	s13 =	simm.s32 $0xF080  }
0x1a: {  	s14 =	simm.s32 $0xF880;
	s15 =	simm.s32 $0x10080;
	s16 =	simm.s32 $0x10880  }
0x1b: {  	s17 =	simm.s32 $0x11080;
	s18 =	simm.s32 $0x11880;
	s19 =	simm.s32 $0x12080  }
0x1c: {  	s20 =	simm.s32 $0x12880;
	s21 =	simm.s32 $0x13080;
	[dreg:$0x1b] =	wrdreg s7  }
0x1d: {  	s22 =	simm.s32 $0x13880;
	s23 =	simm.s32 $0x14080;
	[dreg:$0x1c] =	wrdreg s8  }
0x1e: {  	s6 =	sshrl.u32 s6, $0x3;
	s4 =	sadd.s32 s4, s5;
	[dreg:$0x1d] =	wrdreg s25  }
0x1f: {  	s7 =	smax.u32 s1, $0x1;
	s8 =	simm.s32 $0x2;
	[dreg:$0x1e] =	wrdreg s26  }
0x20: {  	s25 =	simm.s32 $0x15080;
	s26 =	simm.s32 $0x15880;
	s4 =	sadd.s32 $0x2C00, s4  }
0x21: {  	s6 =	sadd.s32 s5, s6;
	s5 =	simm.s32 $0x2080;
	[dreg:$0x4] =	wrdreg s4  }
0x22: {  	s1 =	simm.s32 $0x1;
	s24 =	sadd.s32 $0x2580, s6;
	[dreg:$0x8] =	wrdreg s5  }
0x23: {  	v2 =	vlaneseq.u32;
	s6 =	simm.s32 $0x2880;
	s4 =	sadd.s32 $0x100, s2;
	[dreg:$0x3] =	wrdreg s24  }
0x24: {  	vm0 =	vmmov $0xffff;
	v1 =	vshrl.u32 v2, $0x3;
	s5 =	sadd.s32 $0x200, s2;
	[dreg:$0x9] =	wrdreg s6;
	s24 =	simm.s32 $0xB080  }
0x25: {  	v0 =	vand.u32 $0x7, v2;
	v2 =	vor.u32 $0x8, v2;
	v1 =	vmul.u32 $0x8, v1;
	s6 =	sadd.s32 $0x300, s2;
	[dreg:$0x1a] =	wrdreg s24;
	s24 =	simm.s32 $0x14880  }
.LBB2_1:
0x26: {  	s0 =	rddreg [dreg:$0x3]  }
0x27: {  	[tilespmem:s3], [sflag:$0x2] =	stream.linear.gather [hbm4b:s0+s3], $0x60, $0x38;
	[tilespmem:$0x18080] =	vst v63  }
0x28: {  	_ =	swait.ge [sflag:s8], $0x60  }
0x29: {  	[sflag:s8] =	ssyncset.done $0x0  }
0x2a: {  	[sflag:s8] =	ssyncadd.s32 $0xFFFFFFA0  }
0x2b: {  	v3 =	vld [tilespmem:$0x0];
	_ =	sdelay $0x4  }
0x2c: {  	v4 =	vshll.u32 v3, $0x3  }
0x2d: {  	v3 =	vand.u32 $0x7, v3;
	v4 =	vand.u32 $0xFFFFFFC0, v4  }
0x2e: {  	v3 =	vor.u32 v3, v4  }
0x2f: {  	v4 =	vperm.xlane v3, v0;
	_ =	sdelay $0x1  }
0x30: {  	v4 =	vadd.s32 v1, v4;
	_ =	sdelay $0x4  }
0x31: {  	[tilespmem:s9], [sflag:$0x1] =	stream.indirect_vreg.gather [hbm4b:s2+s3], $0x80, v4, vm0, $0xb8;
	[tilespmem:$0x18080] =	vst v63  }
0x32: {  	s0 =	rddreg [dreg:$0x5];
	v3 =	vperm.xlane v3, v2  }
0x33: {  	[tilespmem:s0], [sflag:$0x1] =	stream.indirect_vreg.gather [hbm4b:s4+s3], $0x80, v4, vm0, $0xb8;
	[tilespmem:$0x18080] =	vst v63  }
0x34: {  	s10 =	rddreg [dreg:$0x6];
	v3 =	vadd.s32 v1, v3  }
0x35: {  	[tilespmem:s10], [sflag:$0x1] =	stream.indirect_vreg.gather [hbm4b:s5+s3], $0x80, v4, vm0, $0xb8;
	[tilespmem:$0x18080] =	vst v63  }
0x36: {  	s0 =	rddreg [dreg:$0x7]  }
0x37: {  	[tilespmem:s0], [sflag:$0x1] =	stream.indirect_vreg.gather [hbm4b:s6+s3], $0x80, v4, vm0, $0xb8;
	[tilespmem:$0x18080] =	vst v63  }
0x38: {  	s10 =	rddreg [dreg:$0x8]  }
0x39: {  	[tilespmem:s10], [sflag:$0x1] =	stream.indirect_vreg.gather [hbm4b:s2+s3], $0x80, v3, vm0, $0xb8;
	[tilespmem:$0x18080] =	vst v63  }
0x3a: {  	s0 =	rddreg [dreg:$0x9]  }
0x3b: {  	[tilespmem:s0], [sflag:$0x1] =	stream.indirect_vreg.gather [hbm4b:s4+s3], $0x80, v3, vm0, $0xb8;
	[tilespmem:$0x18080] =	vst v63  }
0x3c: {  	s10 =	rddreg [dreg:$0xa]  }
0x3d: {  	[tilespmem:s10], [sflag:$0x1] =	stream.indirect_vreg.gather [hbm4b:s5+s3], $0x80, v3, vm0, $0xb8;
	[tilespmem:$0x18080] =	vst v63  }
0x3e: {  	s0 =	rddreg [dreg:$0xb]  }
0x3f: {  	[tilespmem:s0], [sflag:$0x1] =	stream.indirect_vreg.gather [hbm4b:s6+s3], $0x80, v3, vm0, $0xb8;
	[tilespmem:$0x18080] =	vst v63  }
0x40: {  	v3 =	vld [tilespmem:$0x10];
	_ =	sdelay $0x4  }
0x41: {  	v59 =	vshll.u32 v3, $0x3  }
0x42: {  	v3 =	vand.u32 $0x7, v3;
	v4 =	vand.u32 $0xFFFFFFC0, v59  }
0x43: {  	v3 =	vor.u32 v3, v4  }
0x44: {  	v4 =	vperm.xlane v3, v0;
	_ =	sdelay $0x1  }
0x45: {  	v4 =	vadd.s32 v1, v4;
	_ =	sdelay $0x3  }
0x46: {  	s0 =	rddreg [dreg:$0xc]  }
0x47: {  	[tilespmem:s0], [sflag:$0x1] =	stream.indirect_vreg.gather [hbm4b:s2+s3], $0x80, v4, vm0, $0xb8;
	[tilespmem:$0x18080] =	vst v63  }
0x48: {  	s10 =	rddreg [dreg:$0xd];
	v3 =	vperm.xlane v3, v2  }
0x49: {  	[tilespmem:s10], [sflag:$0x1] =	stream.indirect_vreg.gather [hbm4b:s4+s3], $0x80, v4, vm0, $0xb8;
	[tilespmem:$0x18080] =	vst v63  }
0x4a: {  	v3 =	vadd.s32 v1, v3;
	s0 =	rddreg [dreg:$0xe]  }
0x4b: {  	[tilespmem:s0], [sflag:$0x1] =	stream.indirect_vreg.gather [hbm4b:s5+s3], $0x80, v4, vm0, $0xb8;
	[tilespmem:$0x18080] =	vst v63  }
0x4c: {  	s10 =	rddreg [dreg:$0xf]  }
0x4d: {  	[tilespmem:s10], [sflag:$0x1] =	stream.indirect_vreg.gather [hbm4b:s6+s3], $0x80, v4, vm0, $0xb8;
	[tilespmem:$0x18080] =	vst v63  }
0x4e: {  	s0 =	rddreg [dreg:$0x10]  }
0x4f: {  	[tilespmem:s0], [sflag:$0x1] =	stream.indirect_vreg.gather [hbm4b:s2+s3], $0x80, v3, vm0, $0xb8;
	[tilespmem:$0x18080] =	vst v63  }
0x50: {  	s10 =	rddreg [dreg:$0x11]  }
0x51: {  	[tilespmem:s10], [sflag:$0x1] =	stream.indirect_vreg.gather [hbm4b:s4+s3], $0x80, v3, vm0, $0xb8;
	[tilespmem:$0x18080] =	vst v63  }
0x52: {  	s0 =	rddreg [dreg:$0x12]  }
0x53: {  	[tilespmem:s0], [sflag:$0x1] =	stream.indirect_vreg.gather [hbm4b:s5+s3], $0x80, v3, vm0, $0xb8;
	[tilespmem:$0x18080] =	vst v63  }
0x54: {  	s10 =	rddreg [dreg:$0x13]  }
0x55: {  	[tilespmem:s10], [sflag:$0x1] =	stream.indirect_vreg.gather [hbm4b:s6+s3], $0x80, v3, vm0, $0xb8;
	[tilespmem:$0x18080] =	vst v63  }
0x56: {  	v3 =	vld [tilespmem:$0x20];
	_ =	sdelay $0x4  }
0x57: {  	v60 =	vshll.u32 v3, $0x3  }
0x58: {  	v3 =	vand.u32 $0x7, v3;
	v4 =	vand.u32 $0xFFFFFFC0, v60  }
0x59: {  	v3 =	vor.u32 v3, v4  }
0x5a: {  	v4 =	vperm.xlane v3, v0;
	_ =	sdelay $0x1  }
0x5b: {  	v4 =	vadd.s32 v1, v4;
	_ =	sdelay $0x3  }
0x5c: {  	s0 =	rddreg [dreg:$0x14]  }
0x5d: {  	[tilespmem:s0], [sflag:$0x1] =	stream.indirect_vreg.gather [hbm4b:s2+s3], $0x80, v4, vm0, $0xb8;
	[tilespmem:$0x18080] =	vst v63  }
0x5e: {  	s10 =	rddreg [dreg:$0x15];
	v3 =	vperm.xlane v3, v2  }
0x5f: {  	[tilespmem:s10], [sflag:$0x1] =	stream.indirect_vreg.gather [hbm4b:s4+s3], $0x80, v4, vm0, $0xb8;
	[tilespmem:$0x18080] =	vst v63  }
0x60: {  	v3 =	vadd.s32 v1, v3;
	s0 =	rddreg [dreg:$0x16]  }
0x61: {  	[tilespmem:s0], [sflag:$0x1] =	stream.indirect_vreg.gather [hbm4b:s5+s3], $0x80, v4, vm0, $0xb8;
	[tilespmem:$0x18080] =	vst v63  }
0x62: {  	s10 =	rddreg [dreg:$0x17]  }
0x63: {  	[tilespmem:s10], [sflag:$0x1] =	stream.indirect_vreg.gather [hbm4b:s6+s3], $0x80, v4, vm0, $0xb8;
	[tilespmem:$0x18080] =	vst v63  }
0x64: {  	s0 =	rddreg [dreg:$0x18]  }
0x65: {  	[tilespmem:s0], [sflag:$0x1] =	stream.indirect_vreg.gather [hbm4b:s2+s3], $0x80, v3, vm0, $0xb8;
	[tilespmem:$0x18080] =	vst v63  }
0x66: {  	s10 =	rddreg [dreg:$0x19]  }
0x67: {  	[tilespmem:s10], [sflag:$0x1] =	stream.indirect_vreg.gather [hbm4b:s4+s3], $0x80, v3, vm0, $0xb8;
	[tilespmem:$0x18080] =	vst v63  }
0x68: {  	s0 =	rddreg [dreg:$0x1a]  }
0x69: {  	[tilespmem:s0], [sflag:$0x1] =	stream.indirect_vreg.gather [hbm4b:s5+s3], $0x80, v3, vm0, $0xb8;
	[tilespmem:$0x18080] =	vst v63  }
0x6a: {  	s10 =	rddreg [dreg:$0x1b]  }
0x6b: {  	[tilespmem:s10], [sflag:$0x1] =	stream.indirect_vreg.gather [hbm4b:s6+s3], $0x80, v3, vm0, $0xb8;
	[tilespmem:$0x18080] =	vst v63  }
0x6c: {  	v3 =	vld [tilespmem:$0x30];
	_ =	sdelay $0x4  }
0x6d: {  	v61 =	vshll.u32 v3, $0x3  }
0x6e: {  	v3 =	vand.u32 $0x7, v3;
	v4 =	vand.u32 $0xFFFFFFC0, v61  }
0x6f: {  	v3 =	vor.u32 v3, v4  }
0x70: {  	v4 =	vperm.xlane v3, v0;
	_ =	sdelay $0x1  }
0x71: {  	v4 =	vadd.s32 v1, v4;
	_ =	sdelay $0x3  }
0x72: {  	s0 =	rddreg [dreg:$0x1c]  }
0x73: {  	[tilespmem:s0], [sflag:$0x1] =	stream.indirect_vreg.gather [hbm4b:s2+s3], $0x80, v4, vm0, $0xb8;
	[tilespmem:$0x18080] =	vst v63  }
0x74: {  	s10 =	rddreg [dreg:$0x1d];
	v3 =	vperm.xlane v3, v2  }
0x75: {  	[tilespmem:s10], [sflag:$0x1] =	stream.indirect_vreg.gather [hbm4b:s4+s3], $0x80, v4, vm0, $0xb8;
	[tilespmem:$0x18080] =	vst v63  }
0x76: {  	v3 =	vadd.s32 v1, v3;
	s0 =	rddreg [dreg:$0x1e]  }
0x77: {  	[tilespmem:s0], [sflag:$0x1] =	stream.indirect_vreg.gather [hbm4b:s5+s3], $0x80, v4, vm0, $0xb8;
	[tilespmem:$0x18080] =	vst v63  }
0x78: {  	s10 =	simm.s32 $0xD880  }
0x79: {  	[tilespmem:s10], [sflag:$0x1] =	stream.indirect_vreg.gather [hbm4b:s6+s3], $0x80, v4, vm0, $0xb8;
	[tilespmem:$0x18080] =	vst v63  }
0x7a: {  	_ = 	snop  }
0x7b: {  	[tilespmem:s11], [sflag:$0x1] =	stream.indirect_vreg.gather [hbm4b:s2+s3], $0x80, v3, vm0, $0xb8;
	[tilespmem:$0x18080] =	vst v63  }
0x7c: {  	_ = 	snop  }
0x7d: {  	[tilespmem:s12], [sflag:$0x1] =	stream.indirect_vreg.gather [hbm4b:s4+s3], $0x80, v3, vm0, $0xb8;
	[tilespmem:$0x18080] =	vst v63  }
0x7e: {  	_ = 	snop  }
0x7f: {  	[tilespmem:s13], [sflag:$0x1] =	stream.indirect_vreg.gather [hbm4b:s5+s3], $0x80, v3, vm0, $0xb8;
	[tilespmem:$0x18080] =	vst v63  }
0x80: {  	_ = 	snop  }
0x81: {  	[tilespmem:s14], [sflag:$0x1] =	stream.indirect_vreg.gather [hbm4b:s6+s3], $0x80, v3, vm0, $0xb8;
	[tilespmem:$0x18080] =	vst v63  }
0x82: {  	v3 =	vld [tilespmem:$0x40];
	_ =	sdelay $0x4  }
0x83: {  	v62 =	vshll.u32 v3, $0x3  }
0x84: {  	v3 =	vand.u32 $0x7, v3;
	v4 =	vand.u32 $0xFFFFFFC0, v62  }
0x85: {  	v3 =	vor.u32 v3, v4  }
0x86: {  	v4 =	vperm.xlane v3, v0;
	_ =	sdelay $0x1  }
0x87: {  	v4 =	vadd.s32 v1, v4;
	_ =	sdelay $0x4  }
0x88: {  	[tilespmem:s15], [sflag:$0x1] =	stream.indirect_vreg.gather [hbm4b:s2+s3], $0x80, v4, vm0, $0xb8;
	[tilespmem:$0x18080] =	vst v63  }
0x89: {  	v3 =	vperm.xlane v3, v2  }
0x8a: {  	[tilespmem:s16], [sflag:$0x1] =	stream.indirect_vreg.gather [hbm4b:s4+s3], $0x80, v4, vm0, $0xb8;
	[tilespmem:$0x18080] =	vst v63  }
0x8b: {  	v3 =	vadd.s32 v1, v3  }
0x8c: {  	[tilespmem:s17], [sflag:$0x1] =	stream.indirect_vreg.gather [hbm4b:s5+s3], $0x80, v4, vm0, $0xb8;
	[tilespmem:$0x18080] =	vst v63  }
0x8d: {  	_ = 	snop  }
0x8e: {  	[tilespmem:s18], [sflag:$0x1] =	stream.indirect_vreg.gather [hbm4b:s6+s3], $0x80, v4, vm0, $0xb8;
	[tilespmem:$0x18080] =	vst v63  }
0x8f: {  	_ = 	snop  }
0x90: {  	[tilespmem:s19], [sflag:$0x1] =	stream.indirect_vreg.gather [hbm4b:s2+s3], $0x80, v3, vm0, $0xb8;
	[tilespmem:$0x18080] =	vst v63  }
0x91: {  	_ = 	snop  }
0x92: {  	[tilespmem:s20], [sflag:$0x1] =	stream.indirect_vreg.gather [hbm4b:s4+s3], $0x80, v3, vm0, $0xb8;
	[tilespmem:$0x18080] =	vst v63  }
0x93: {  	_ = 	snop  }
0x94: {  	[tilespmem:s21], [sflag:$0x1] =	stream.indirect_vreg.gather [hbm4b:s5+s3], $0x80, v3, vm0, $0xb8;
	[tilespmem:$0x18080] =	vst v63  }
0x95: {  	_ = 	snop  }
0x96: {  	[tilespmem:s22], [sflag:$0x1] =	stream.indirect_vreg.gather [hbm4b:s6+s3], $0x80, v3, vm0, $0xb8;
	[tilespmem:$0x18080] =	vst v63  }
0x97: {  	v3 =	vld [tilespmem:$0x50];
	_ =	sdelay $0x4  }
0x98: {  	v63 =	vshll.u32 v3, $0x3  }
0x99: {  	v3 =	vand.u32 $0x7, v3;
	v4 =	vand.u32 $0xFFFFFFC0, v63  }
0x9a: {  	v3 =	vor.u32 v3, v4  }
0x9b: {  	v4 =	vperm.xlane v3, v0;
	_ =	sdelay $0x1  }
0x9c: {  	v4 =	vadd.s32 v1, v4;
	_ =	sdelay $0x4  }
0x9d: {  	[tilespmem:s23], [sflag:$0x1] =	stream.indirect_vreg.gather [hbm4b:s2+s3], $0x80, v4, vm0, $0xb8;
	[tilespmem:$0x18080] =	vst v63  }
0x9e: {  	v3 =	vperm.xlane v3, v2  }
0x9f: {  	[tilespmem:s24], [sflag:$0x1] =	stream.indirect_vreg.gather [hbm4b:s4+s3], $0x80, v4, vm0, $0xb8;
	[tilespmem:$0x18080] =	vst v63  }
0xa0: {  	v3 =	vadd.s32 v1, v3  }
0xa1: {  	[tilespmem:s25], [sflag:$0x1] =	stream.indirect_vreg.gather [hbm4b:s5+s3], $0x80, v4, vm0, $0xb8;
	[tilespmem:$0x18080] =	vst v63  }
0xa2: {  	_ = 	snop  }
0xa3: {  	[tilespmem:s26], [sflag:$0x1] =	stream.indirect_vreg.gather [hbm4b:s6+s3], $0x80, v4, vm0, $0xb8;
	[tilespmem:$0x18080] =	vst v63  }
0xa4: {  	_ = 	snop  }
0xa5: {  	[tilespmem:s28], [sflag:$0x1] =	stream.indirect_vreg.gather [hbm4b:s2+s3], $0x80, v3, vm0, $0xb8;
	[tilespmem:$0x18080] =	vst v63  }
0xa6: {  	_ = 	snop  }
0xa7: {  	[tilespmem:s29], [sflag:$0x1] =	stream.indirect_vreg.gather [hbm4b:s4+s3], $0x80, v3, vm0, $0xb8;
	[tilespmem:$0x18080] =	vst v63  }
0xa8: {  	_ = 	snop  }
0xa9: {  	[tilespmem:s30], [sflag:$0x1] =	stream.indirect_vreg.gather [hbm4b:s5+s3], $0x80, v3, vm0, $0xb8;
	[tilespmem:$0x18080] =	vst v63  }
0xaa: {  	_ = 	snop  }
0xab: {  	[tilespmem:s31], [sflag:$0x1] =	stream.indirect_vreg.gather [hbm4b:s6+s3], $0x80, v3, vm0, $0xb8;
	[tilespmem:$0x18080] =	vst v63  }
0xac: {  	_ =	swait.ge [sflag:s1], $0x18000  }
0xad: {  	p0 =	sne.s32 s7, $0x1;
	[sflag:s1] =	ssyncset.done $0x0  }
.Ltmp0:
0xae: {  	s10 =	rddreg [dreg:$0x4];
	[sflag:s1] =	ssyncadd.s32 $0xFFFE8000;
	(pc) =	sbr.rel @p0 .LBB2_1-.Ltmp0, $4  }
0xaf: {  	[hbm4b:s10+s3] =	stream.linear.scatter [tilespmem:s9], [sflag:$0x2], $0x18000, $0x38;
	[tilespmem:$0x18080] =	vst v63  }
0xb0: {  	_ =	swait.ge [sflag:s8], $0x18000  }
0xb1: {  	[sflag:s8] =	ssyncset.done $0x0  }
0xb2: {  	s7 =	sadd.s32 $0xFFFFFFFF, s7;
	[sflag:s8] =	ssyncadd.s32 $0xFFFE8000  }
0xb3: {  	_ =	sfence.sel $0x180000  }
0xb4: {  	[bflag:$0x0] =	sbarrier.arrive $0xFFFF  }
0xb5: {  	_ =	strace $0x9000004A  }
0xb6: {  	s0 =	stileid.u32;
	[bflag:$0x2] =	sbarrier.arrive $0xFFFF  }
0xb7: {  	p0 =	sne.s32 s0, $0x0;
	s0 =	rddreg [dreg:$0x2]  }
0xb8: {  	s0 =	sadd.s32 @!p0 $0x100000, s0  }
0xb9: {  	[sflag:s0] =	ssyncadd.tile.s32 @!p0 $0x1;
	_ =	shalt  }
.Lfunc_end2:
_tile_overlayer_lowered:
.L_overlay_start_2:
0xba: {  	(tag) =	ssettag $0x2  }
0xbb: {  	s0 =	rddreg [dreg:$0x0];
	s2 =	stileid.u32  }
0xbc: {  	s1 =	rddreg [dreg:$0x1];
	p0 =	sne.s32 s2, $0x0  }
0xbd: {  	s3 =	rddreg [dreg:$0x2];
	[bflag:$0x3] =	sbarrier.arrive $0xFFFF;
	s2 =	simm.s32 @!p0 $0x1C02  }
0xbe: {  	[timem:s3], [sflag:s2] =	dma.local @!p0 [hbm:s0], s1  }
0xbf: {  	s0 =	simm.s32 @!p0 $0x2  }
0xc0: {  	_ =	swait.ge @!p0 [sflag:s0], s1  }
0xc1: {  	s1 =	ssub.s32 @!p0 $0x0, s1;
	[sflag:s0] =	ssyncset.done @!p0 $0x0  }
0xc2: {  	[sflag:s0] =	ssyncadd.s32 @!p0 s1  }
0xc3: {  	[bflag:$0x3] =	sbarrier.arrive $0xFFFF  }
0xc4: {  	_ =	shalt  }

// kernel: kernel.8.cloned.1.call-start
scs
__scs_entry_jumppad:
0x0: {  	(pc) =	sbr.rel $0x88, $3  }
0x1: {  	(tag) =	ssettag $0x0;
	lr =	simm.s32 $0x1  }
0x2: {  	[smem:$0x3F9C] =	sst lr;
	_ =	strace $0xD0000000  }
0x3: {  	_ = 	snop  }
0x4: {  	_ = 	snop  }
0x5: {  	_ = 	snop  }
0x6: {  	_ = 	snop  }
0x7: {  	_ = 	snop  }
__scs_overlays_trampoline_lowered:
0x8: {  	[smem:$0x3FAB] =	sst s0  }
0x9: {  	[smem:$0x3FAC] =	sst s1  }
0xa: {  	[smem:$0x3FAD] =	sst s2  }
0xb: {  	[smem:$0x3FAE] =	sst s3  }
0xc: {  	[smem:$0x3FAF] =	sst s4  }
0xd: {  	[smem:$0x3FB0] =	sst s5  }
0xe: {  	[smem:$0x3FB1] =	sst s6  }
0xf: {  	[smem:$0x3FB2] =	sst s7  }
0x10: {  	[smem:$0x3FB3] =	sst s8  }
0x11: {  	[smem:$0x3FB4] =	sst s9;
	s0 =	simm.s32 @!p0 $0x0  }
0x12: {  	s1 =	sld [smem:$0x3F9A];
	s0 =	simm.s32 @p0 $0x1  }
0x13: {  	[smem:$0x3FB5] =	sst s0;
	s0 =	simm.s32 @!p1 $0x0  }
0x14: {  	s2 =	sld [smem:$0x3F99];
	s0 =	simm.s32 @p1 $0x1  }
0x15: {  	[smem:$0x3FB6] =	sst s0;
	s0 =	simm.s32 @!p2 $0x0  }
0x16: {  	s3 =	sld [smem:$0x3FDB];
	s0 =	simm.s32 @p2 $0x1  }
0x17: {  	s4 =	simm.s32 $0x1BF5;
	[smem:$0x3FB8] =	sst s0  }
0x18: {  	s0 =	sld [smem:$0x3F9B];
	_ =	swait.ge [sflag:s4], $0x0  }
0x19: {  	s7 =	sld [smem:$0x3F9C]  }
0x1a: {  	s8 =	sadd.s32 $0xFFFFE003, lr  }
0x1b: {  	s9 =	sadd.s32 $0xFFFFFEF7, lr;
	s5 =	simm.s32 $0xFFFFFFFF;
	p2 =	slt.u32 s8, $0xFFFFF086  }
0x1c: {  	p1 =	slt.u32 s9, $0xF7A;
	s5 =	simm.s32 @!p2 $0x0  }
0x1d: {  	s5 =	simm.s32 @p1 $0x1;
	p0 =	seq.s32 s7, s2  }
0x1e: {  	s7 =	smul.u32 @!p0 $0xF7A, s2;
	p2 =	seq.s32 @!p0 s5, $0x0  }
0x1f: {  	s9 =	smul.u32 $0xF7A, s1;
	s8 =	simm.s32 @!p0 $0x1BF5;
	p2 =	por !p2, p0  }
0x20: {  	[sflag:s8] =	ssyncset.s32 @!p0 $0xFFFFF086;
	s6 =	sadd.s32 @!p0 s3, s7;
	s7 =	simm.s32 @!p0 $0x108  }
0x21: {  	s3 =	sadd.s32 s3, s9;
	s6 =	sadd.s32 @!p0 $0x88, s6;
	s7 =	simm.s32 @p2 $0x1082  }
0x22: {  	[simem:s7], [sflag:s8] =	dma.local @!p0 [hbm:s6], $0xF7A  }
0x23: {  	s9 =	sor.u32 $0xD0000000, s2;
	s6 =	simm.s32 $0x108;
	_ =	swait.ge @!p0 [sflag:s8], $0x0  }
0x24: {  	s3 =	sadd.s32 $0x88, s3;
	s6 =	simm.s32 @!p1 $0x1082;
	[sflag:s4] =	ssyncset.s32 $0xFFFFF086  }
0x25: {  	[simem:s6], [sflag:s4] =	dma.local [hbm:s3], $0xF7A  }
0x26: {  	[smem:$0x3F9C] =	sst s1;
	(tag) =	ssettag s2;
	_ =	strace s9  }
0x27: {  	s1 =	sld [smem:$0x3FAC]  }
0x28: {  	s2 =	sld [smem:$0x3FAD]  }
0x29: {  	s4 =	sld [smem:$0x3FAF]  }
0x2a: {  	p0 =	seq.s32 s5, $0x0;
	s5 =	sld [smem:$0x3FB0]  }
0x2b: {  	s6 =	sld [smem:$0x3FB1]  }
0x2c: {  	s7 =	sld [smem:$0x3FB2]  }
0x2d: {  	s3 =	simm.s32 $0x108;
	s8 =	sld [smem:$0x3FB3]  }
0x2e: {  	s3 =	simm.s32 @!p0 $0x1082;
	s9 =	sld [smem:$0x3FB4]  }
0x2f: {  	lr =	sadd.s32 s0, s3;
	s0 =	sld [smem:$0x3FAB]  }
0x30: {  	s3 =	sld [smem:$0x3FAE]  }
0x31: {  	[smem:$0x3FB7] =	sst s10  }
0x32: {  	s10 =	sld [smem:$0x3FB5];
	_ =	sdelay $0x3  }
0x33: {  	p0 =	seq.s32 s10, $0x1;
	s10 =	sld [smem:$0x3FB7];
	_ =	sdelay $0x3  }
0x34: {  	[smem:$0x3FB7] =	sst s10  }
0x35: {  	s10 =	sld [smem:$0x3FB6];
	_ =	sdelay $0x3  }
0x36: {  	p1 =	seq.s32 s10, $0x1;
	s10 =	sld [smem:$0x3FB7];
	_ =	sdelay $0x3  }
0x37: {  	[smem:$0x3FB7] =	sst s10  }
0x38: {  	s10 =	sld [smem:$0x3FB8]  }
0x39: {  	_ = 	snop;
	(pc) =	sbr.ind lr, $3  }
0x3a: {  	_ = 	snop  }
0x3b: {  	_ = 	snop  }
0x3c: {  	p2 =	seq.s32 s10, $0x1;
	s10 =	sld [smem:$0x3FB7]  }
0x3d: {  	_ =	shalt  }
0x3e: {  	_ =	shalt  }
0x3f: {  	_ =	shalt  }
0x40: {  	_ =	shalt  }
0x41: {  	_ =	shalt  }
0x42: {  	_ =	shalt  }
0x43: {  	_ =	shalt  }
0x44: {  	_ =	shalt  }
0x45: {  	_ =	shalt  }
0x46: {  	_ =	shalt  }
0x47: {  	_ =	shalt  }
0x48: {  	_ =	shalt  }
0x49: {  	_ =	shalt  }
0x4a: {  	_ =	shalt  }
0x4b: {  	_ =	shalt  }
0x4c: {  	_ =	shalt  }
0x4d: {  	_ =	shalt  }
0x4e: {  	_ =	shalt  }
0x4f: {  	_ =	shalt  }
0x50: {  	_ =	shalt  }
0x51: {  	_ =	shalt  }
0x52: {  	_ =	shalt  }
0x53: {  	_ =	shalt  }
0x54: {  	_ =	shalt  }
0x55: {  	_ =	shalt  }
0x56: {  	_ =	shalt  }
0x57: {  	_ =	shalt  }
0x58: {  	_ =	shalt  }
0x59: {  	_ =	shalt  }
0x5a: {  	_ =	shalt  }
0x5b: {  	_ =	shalt  }
0x5c: {  	_ =	shalt  }
0x5d: {  	_ =	shalt  }
0x5e: {  	_ =	shalt  }
0x5f: {  	_ =	shalt  }
0x60: {  	_ =	shalt  }
0x61: {  	_ =	shalt  }
0x62: {  	_ =	shalt  }
0x63: {  	_ =	shalt  }
0x64: {  	_ =	shalt  }
0x65: {  	_ =	shalt  }
0x66: {  	_ =	shalt  }
0x67: {  	_ =	shalt  }
0x68: {  	_ =	shalt  }
0x69: {  	_ =	shalt  }
0x6a: {  	_ =	shalt  }
0x6b: {  	_ =	shalt  }
0x6c: {  	_ =	shalt  }
0x6d: {  	_ =	shalt  }
0x6e: {  	_ =	shalt  }
0x6f: {  	_ =	shalt  }
0x70: {  	_ =	shalt  }
0x71: {  	_ =	shalt  }
0x72: {  	_ =	shalt  }
0x73: {  	_ =	shalt  }
0x74: {  	_ =	shalt  }
0x75: {  	_ =	shalt  }
0x76: {  	_ =	shalt  }
0x77: {  	_ =	shalt  }
0x78: {  	_ =	shalt  }
0x79: {  	_ =	shalt  }
0x7a: {  	_ =	shalt  }
0x7b: {  	_ =	shalt  }
0x7c: {  	_ =	shalt  }
0x7d: {  	_ =	shalt  }
0x7e: {  	_ =	shalt  }
0x7f: {  	_ =	shalt  }
0x80: {  	_ =	shalt  }
0x81: {  	_ =	shalt  }
0x82: {  	_ =	shalt  }
0x83: {  	_ =	shalt  }
0x84: {  	_ =	shalt  }
0x85: {  	_ =	shalt  }
0x86: {  	_ =	shalt  }
0x87: {  	_ =	shalt  }
.Lfunc_end0:
.L_simem_size_0:
called_computation_lowered:
.L_overlay_start_0:
0x88: {  	s2 =	sld [smem:$0x3FD9]  }
0x89: {  	s3 =	sld [smem:$0x3FFE];
	_ =	sdelay $0x1  }
0x8a: {  	s1 =	srdreg.scid  }
0x8b: {  	s0 =	sand.u32 $0x1, s1  }
0x8c: {  	s14 =	sshll.u32 s0, $0xA;
	s2 =	sadd.s32 s3, s2  }
0x8d: {  	s2 =	sadd.s32 s2, s14  }
0x8e: {  	[smem:$0x3FC3] =	sst s2  }
0x8f: {  	_ = 	snop  }
0x90: {  	s2 =	sld [smem:$0x3FD0];
	_ =	sdelay $0x2  }
0x91: {  	s15 =	simm.s32 $0xB;
	s4 =	simm.s32 $0x10  }
0x92: {  	[smem:s4], [sflag:s15] =	dma.local [hbm:s2], $0x1  }
0x93: {  	_ =	swait.eq [sflag:s15], $0x1  }
0x94: {  	[sflag:s15] =	ssyncset.done $0x0  }
0x95: {  	s16 =	sld [smem:$0x10];
	[sflag:s15] =	ssyncadd.s32 $0xFFFFFFFF  }
0x96: {  	s17 =	sld [smem:$0x11];
	(tm) =	ssettm $0x1  }
0x97: {  	s18 =	sld [smem:$0x3FFB];
	_ =	sdelay $0x3  }
0x98: {  	_ =	strace s18  }
0x99: {  	s4 =	sld [smem:$0x3FFC];
	_ =	sdelay $0x3  }
0x9a: {  	_ =	strace s4  }
0x9b: {  	s4 =	sld [smem:$0x3FFD];
	_ =	sdelay $0x3  }
0x9c: {  	_ =	strace s4  }
0x9d: {  	_ =	strace $0x8FFFFFFF  }
0x9e: {  	s19 =	sld [smem:$0x3FDB];
	_ =	sdelay $0x1  }
0x9f: {  	s5 =	simm.s32 $_scs_section_size  }
0xa0: {  	s6 =	simm.s32 $_size__tile_overlayer_lowered;
	s7 =	simm.s32 $_tile_overlayer_lowered  }
0xa1: {  	s22 =	simm.s32 $0x1BFF;
	s21 =	sshll.u32 s7, $0x1;
	s4 =	sadd.s32 s5, s19  }
0xa2: {  	s8 =	simm.s32 $0x0;
	s20 =	sshll.u32 s6, $0x1;
	s6 =	sadd.s32 s21, s4  }
0xa3: {  	[timem:s8], [sflag:s22] =	dma.local [hbm:s6], s20  }
0xa4: {  	_ =	swait.ge [sflag:s22], s20  }
0xa5: {  	s5 =	ssub.s32 $0x0, s20;
	[sflag:s22] =	ssyncset.done $0x0  }
0xa6: {  	[sflag:s22] =	ssyncadd.s32 s5;
	_ =	sdelay $0x1  }
0xa7: {  	s23 =	simm.s32 $0x1B8B  }
0xa8: {  	_ =	swait.ge [sflag:s23], $0x1  }
0xa9: {  	[sflag:s23] =	ssyncset.done $0x0  }
0xaa: {  	s25 =	simm.s32 $0x1B8E;
	s24 =	sld [smem:$0x3FFE];
	[sflag:s23] =	ssyncadd.s32 $0xFFFFFFFF  }
0xab: {  	s26 =	simm.s32 $execute0_lowered;
	[smem:$0x3FD2] =	sst s25  }
0xac: {  	s6 =	sshll.u32 s26, $0x1;
	_ =	strace $0x80000046;
	[dreg:$0x1] =	wrdreg $0xFFFFFFFF  }
0xad: {  	s28 =	simm.s32 $_size_execute0_lowered;
	s4 =	sadd.s32 s4, s6;
	[dreg:$0x0] =	wrdreg $0x0  }
0xae: {  	s6 =	sshll.u32 s28, $0x1;
	[dreg:$0x2] =	wrdreg s4  }
0xaf: {  	[dreg:$0x3] =	wrdreg s6  }
0xb0: {  	[dreg:$0x4] =	wrdreg $0xC0  }
0xb1: {  	_ =	task [dreg:s8], $0x5FFFF  }
0xb2: {  	[dreg:$0x1] =	wrdreg $0xFFFFFFFF  }
0xb3: {  	[dreg:$0x0] =	wrdreg $0x60  }
0xb4: {  	[dreg:$0x2] =	wrdreg s17  }
0xb5: {  	[dreg:$0x3] =	wrdreg s16  }
0xb6: {  	[dreg:$0x4] =	wrdreg s24  }
0xb7: {  	[dreg:$0x5] =	wrdreg $0x9  }
0xb8: {  	_ =	task.clear_ibuf [dreg:s8], $0x6FFFF;
	_ =	strace $0x90000046  }
0xb9: {  	s29 =	simm.s32 $0x9;
	_ =	strace $0x80000048  }
0xba: {  	_ =	swait.ge [sflag:s29], $0x1  }
0xbb: {  	[sflag:s29] =	ssyncadd.s32 $0xFFFFFFFF  }
0xbc: {  	_ =	strace $0x90000048  }
0xbd: {  	_ =	sfence  }
0xbe: {  	s30 =	sld [smem:$0x0];
	_ =	sdelay $0x2  }
0xbf: {  	s31 =	sshll.u32 s1, $0xD;
	s1 =	sshrl.u32 s1, $0x2  }
0xc0: {  	s3 =	sand.u32 $0x4000, s31;
	s1 =	sadd.s32 s1, s30  }
0xc1: {  	s0 =	sor.u32 s3, s0;
	s1 =	sshll.u32 s1, $0x11  }
0xc2: {  	s0 =	sor.u32 s1, s0  }
0xc3: {  	s0 =	sadd.s32 $0x8F2B, s0  }
0xc4: {  	[sflag:s0] =	ssyncadd.remote.s32 $0x1  }
0xc5: {  	_ =	sfence.sel $0xFFFF  }
0xc6: {  	[dreg:$0x0] =	wrdreg $0xFFFFFFFF;
	(pc) =	sbr.abs _section_cstart, $3  }
0xc7: {  	[dreg:$0x1] =	wrdreg $0xFFFFFFFF  }
0xc8: {  	_ =	task.clear_ibuf [dreg:s8], $0x2FFFF;
	_ =	strace $0x9FFFFFFF  }
0xc9: {  	(tm) =	ssettm $0x7FFFFFFF  }
tec
execute0_lowered:
.L_overlay_start_1:
0x0: {  	(tag) =	ssettag $0x1  }
0x1: {  	s0 =	srdreg.scid  }
0x2: {  	s4 =	sand.u32 $0x1, s0;
	s0 =	stileid.u32  }
0x3: {  	s5 =	sshll.u32 s0, $0x1;
	s6 =	ssub.s32 $0x0, s4  }
0x4: {  	p0 =	sne.s32 s5, s6  }
.Ltmp0:
0x5: {  	_ = 	snop;
	(pc) =	sbr.rel @p0 .LBB2_7-.Ltmp0, $4  }
0x6: {  	s1 =	rddreg [dreg:$0x0]  }
0x7: {  	s3 =	rddreg [dreg:$0x1]  }
0x8: {  	s7 =	rddreg [dreg:$0x2]  }
0x9: {  	s2 =	rddreg [dreg:$0x3];
	_ =	strace $0x80000047  }
0xa: {  	s8 =	ssub.s32 $0x2, s4  }
0xb: {  	s4 =	sadd.s32 $0x1E00, s7;
	s5 =	sadd.s32 $0x2000, s7;
	s6 =	sadd.s32 $0x2400, s7  }
0xc: {  	s7 =	sadd.s32 $0x2800, s7;
	s10 =	simm.s32 $0x1;
	s11 =	simm.s32 $0x800  }
0xd: {  	s12 =	simm.s32 $0x1000;
	s13 =	simm.s32 $0x1800;
	s9 =	sshrl.u32 s8, $0x1  }
0xe: {  	s14 =	simm.s32 $0x2000;
	s15 =	simm.s32 $0x3800;
	s8 =	ssub.s32 s8, s9  }
0xf: {  	v0 =	vimm.s32 $0x0;
	v1 =	vimm.f32 $0.0e+00;
	v2 =	vlaneseq.u32;
	s16 =	simm.s32 $0x0;
	s9 =	simm.s32 $0x0;
	s8 =	smax.u32 s8, $0x1  }
.LBB2_2:
0x10: {  	[tilespmem:s9], [sflag:$0x1] =	stream.linear.gather [hbm4b:s1+s9], $0x800, $0x38;
	[tilespmem:$0x5000] =	vst v63  }
0x11: {  	_ =	swait.ge [sflag:s10], $0x800  }
0x12: {  	[sflag:s10] =	ssyncset.done $0x0  }
0x13: {  	[sflag:s10] =	ssyncadd.s32 $0xFFFFF800  }
0x14: {  	[tilespmem:s11], [sflag:$0x1] =	stream.linear.gather [hbm4b:s3+s9], $0x800, $0x38;
	[tilespmem:$0x5000] =	vst v63  }
0x15: {  	_ =	swait.ge [sflag:s10], $0x800  }
0x16: {  	[sflag:s10] =	ssyncset.done $0x0  }
0x17: {  	[sflag:s10] =	ssyncadd.s32 $0xFFFFF800  }
0x18: {  	[tilespmem:s12], [sflag:$0x1] =	stream.linear.gather [hbm4b:s4+s9], $0x800, $0x38;
	[tilespmem:$0x5000] =	vst v63  }
0x19: {  	_ =	swait.ge [sflag:s10], $0x800  }
0x1a: {  	[sflag:s10] =	ssyncset.done $0x0  }
0x1b: {  	[sflag:s10] =	ssyncadd.s32 $0xFFFFF800  }
0x1c: {  	[tilespmem:s13], [sflag:$0x1] =	stream.linear.gather [hbm4b:s5+s9], $0x800, $0x38;
	[tilespmem:$0x5000] =	vst v63  }
0x1d: {  	_ =	swait.ge [sflag:s10], $0x800  }
0x1e: {  	[sflag:s10] =	ssyncset.done $0x0  }
0x1f: {  	s17 =	simm.s32 $0x0;
	[sflag:s10] =	ssyncadd.s32 $0xFFFFF800  }
.LBB2_3:
0x20: {  	p0 =	sne.s32 s17, $0x5FC0  }
.Ltmp1:
0x21: {  	_ = 	snop;
	(pc) =	sbr.rel @p0 .LBB2_3-.Ltmp1, $4  }
0x22: {  	_ = 	snop  }
0x23: {  	s18 =	sshra.s32 s17, $0x2  }
0x24: {  	[tilespmem:s18+$0x2000] =	vst v0  }
0x25: {  	s17 =	sadd.s32 $0x40, s17;
	[tilespmem:s18+$0x3800] =	vst v1  }
0x26: {  	s17 =	simm.s32 $0x0;
	s18 =	simm.s32 $0x1000  }
0x27: {  	s19 =	simm.s32 $0x800;
	s20 =	simm.s32 $0x1800;
	s21 =	simm.s32 $0x0  }
.LBB2_5:
0x28: {  	v3 =	vld [tilespmem:s17+$0x0];
	_ =	sdelay $0x6  }
0x29: {  	v4 =	vor.u32 s21, v2  }
0x2a: {  	[tilespmem:v3+s14+$0x0] =	vst.idx.msk $0xffff, v4  }
0x2b: {  	v3 =	vld [tilespmem:s17+$0x0];
	_ =	sdelay $0x2  }
0x2c: {  	v5 =	vld [tilespmem:s18+$0x0];
	_ =	sdelay $0x4  }
0x2d: {  	[tilespmem:v3+s15+$0x0] =	vst.idx.msk $0xffff, v5  }
0x2e: {  	v3 =	vld [tilespmem:s19+$0x0];
	_ =	sdelay $0x7  }
0x2f: {  	[tilespmem:v3+s14+$0x0] =	vst.idx.msk $0xffff, v4  }
0x30: {  	v3 =	vld [tilespmem:s19+$0x0];
	_ =	sdelay $0x2  }
0x31: {  	p0 =	sne.s32 s21, $0x7F0;
	v4 =	vld [tilespmem:s20+$0x0]  }
.Ltmp2:
0x32: {  	_ = 	snop;
	(pc) =	sbr.rel @p0 .LBB2_5-.Ltmp2, $3  }
0x33: {  	_ =	sdelay $0x1  }
0x34: {  	s21 =	sadd.s32 $0x10, s21;
	s17 =	sadd.s32 $0x10, s17  }
0x35: {  	s18 =	sadd.s32 $0x10, s18;
	s19 =	sadd.s32 $0x10, s19;
	s20 =	sadd.s32 $0x10, s20;
	[tilespmem:v3+s15+$0x0] =	vst.idx.msk $0xffff, v4  }
0x36: {  	[hbm4b:s6+s9] =	stream.linear.scatter [tilespmem:s14], [sflag:$0x1], $0x1800, $0x38;
	[tilespmem:$0x5000] =	vst v63  }
0x37: {  	s16 =	sadd.s32 $0x1, s16;
	_ =	swait.ge [sflag:s10], $0x1800  }
0x38: {  	p0 =	sne.s32 s16, s8;
	[sflag:s10] =	ssyncset.done $0x0  }
.Ltmp3:
0x39: {  	[sflag:s10] =	ssyncadd.s32 $0xFFFFE800;
	(pc) =	sbr.rel @p0 .LBB2_2-.Ltmp3, $4  }
0x3a: {  	[hbm4b:s7+s9] =	stream.linear.scatter [tilespmem:s15], [sflag:$0x1], $0x1800, $0x38;
	[tilespmem:$0x5000] =	vst v63  }
0x3b: {  	_ =	swait.ge [sflag:s10], $0x1800  }
0x3c: {  	[sflag:s10] =	ssyncset.done $0x0  }
0x3d: {  	[sflag:s10] =	ssyncadd.s32 $0xFFFFE800  }
.LBB2_7:
0x3e: {  	_ =	sfence.sel $0x180000  }
0x3f: {  	[bflag:$0x0] =	sbarrier.arrive $0xFFFF  }
0x40: {  	p0 =	sne.s32 s0, $0x0;
	_ =	strace $0x90000047  }
0x41: {  	s0 =	sadd.s32 @!p0 $0x100000, s2;
	[bflag:$0x2] =	sbarrier.arrive $0xFFFF  }
0x42: {  	[sflag:s0] =	ssyncadd.tile.s32 @!p0 $0x1;
	_ =	shalt  }
.Lfunc_end2:
_tile_overlayer_lowered:
.L_overlay_start_2:
0x43: {  	(tag) =	ssettag $0x2  }
0x44: {  	s0 =	rddreg [dreg:$0x0];
	s2 =	stileid.u32  }
0x45: {  	s1 =	rddreg [dreg:$0x1];
	p0 =	sne.s32 s2, $0x0  }
0x46: {  	s3 =	rddreg [dreg:$0x2];
	[bflag:$0x3] =	sbarrier.arrive $0xFFFF;
	s2 =	simm.s32 @!p0 $0x1C01  }
0x47: {  	[timem:s3], [sflag:s2] =	dma.local @!p0 [hbm:s0], s1  }
0x48: {  	s0 =	simm.s32 @!p0 $0x1  }
0x49: {  	_ =	swait.ge @!p0 [sflag:s0], s1  }
0x4a: {  	s1 =	ssub.s32 @!p0 $0x0, s1;
	[sflag:s0] =	ssyncset.done @!p0 $0x0  }
0x4b: {  	[sflag:s0] =	ssyncadd.s32 @!p0 s1  }
0x4c: {  	[bflag:$0x3] =	sbarrier.arrive $0xFFFF  }
0x4d: {  	_ =	shalt  }

</sc_bundles>
